<compile_context>
chip_gen: v7x
topology: tpu7x:2x2x1
jax: 0.10.2.dev20260603
libtpu: 0.0.44.dev20260713+nightly
codegen_flags: <defaults>
</compile_context>

<pallas_src>
import functools

import jax
import jax.numpy as jnp
from jax import lax
from jax.experimental import pallas as pl
from jax.experimental.pallas import tpu as pltpu
from jax.experimental.pallas import tpu_sc as plsc

_SC_INFO = plsc.get_sparse_core_info()
_NC = _SC_INFO.num_cores
_NS = _SC_INFO.num_subcores
_NW = _NC * _NS
_CW = 128


def _make_deg_kernel(n_pad, chunks):
    rps = n_pad // _NS
    mesh = plsc.VectorSubcoreMesh(core_axis_name="c", subcore_axis_name="s")

    @functools.partial(
        pl.kernel,
        mesh=mesh,
        out_type=jax.ShapeDtypeStruct((_NC, n_pad), jnp.float32),
        scratch_types=[
            pltpu.VMEM((chunks, _CW), jnp.int32),
            pltpu.VMEM((_CW,), jnp.float32),
            pltpu.VMEM_SHARED((n_pad,), jnp.float32),
        ],
    )
    def deg_kernel(dst_hbm, ones_hbm, out_hbm, dst_v, ones_v, dacc):
        cid = lax.axis_index("c")
        sid = lax.axis_index("s")
        wid = sid * _NC + cid
        pltpu.sync_copy(ones_hbm.at[pl.ds(0, _CW)], ones_v)
        for r in range(rps // _CW):
            pltpu.sync_copy(
                ones_hbm.at[pl.ds(r * _CW, _CW)],
                dacc.at[pl.ds(sid * rps + r * _CW, _CW)],
            )
        pltpu.sync_copy(dst_hbm.at[wid], dst_v)
        plsc.subcore_barrier()

        def body(j, _):
            pltpu.sync_copy(ones_v, dacc.at[dst_v.at[j]], add=True)
            return 0

        lax.fori_loop(0, chunks, body, 0)
        plsc.subcore_barrier()
        pltpu.sync_copy(
            dacc.at[pl.ds(sid * rps, rps)],
            out_hbm.at[cid, pl.ds(sid * rps, rps)],
        )

    return deg_kernel


def _make_agg_kernel(n_pad, chunks, f):
    rps = n_pad // _NS
    mesh = plsc.VectorSubcoreMesh(core_axis_name="c", subcore_axis_name="s")

    @functools.partial(
        pl.kernel,
        mesh=mesh,
        out_type=jax.ShapeDtypeStruct((_NC, n_pad, f), jnp.float32),
        scratch_types=[
            pltpu.VMEM((chunks, _CW), jnp.int32),
            pltpu.VMEM((chunks, _CW), jnp.int32),
            pltpu.VMEM((_CW, f), jnp.float32),
            pltpu.VMEM_SHARED((n_pad, f), jnp.float32),
            pltpu.SemaphoreType.DMA,
        ],
    )
    def agg_kernel(g_hbm, src_hbm, dst_hbm, out_hbm, src_v, dst_v, rows_v,
                   acc, sem):
        cid = lax.axis_index("c")
        sid = lax.axis_index("s")
        wid = sid * _NC + cid
        pltpu.sync_copy(
            g_hbm.at[pl.ds(sid * rps, rps)],
            acc.at[pl.ds(sid * rps, rps)],
        )
        pltpu.sync_copy(src_hbm.at[wid], src_v)
        pltpu.sync_copy(dst_hbm.at[wid], dst_v)
        plsc.subcore_barrier()

        def body(j, _):
            pltpu.async_copy(g_hbm.at[src_v.at[j]], rows_v, sem).wait()
            pltpu.sync_copy(rows_v, acc.at[dst_v.at[j]], add=True)
            return 0

        lax.fori_loop(0, chunks, body, 0)
        plsc.subcore_barrier()
        pltpu.sync_copy(
            acc.at[pl.ds(sid * rps, rps)],
            out_hbm.at[cid, pl.ds(sid * rps, rps)],
        )

    return agg_kernel


def _mm_scale(xp, w, degp, blk):
    n_pad, fin = xp.shape
    fout = w.shape[1]

    def body(x_ref, w_ref, d_ref, o_ref):
        deg = d_ref[0, :] + d_ref[1, :] - 1.0
        dinv = lax.rsqrt(deg)
        h = jnp.dot(x_ref[...], w_ref[...], preferred_element_type=jnp.float32)
        o_ref[...] = h * dinv[:, None]

    return pl.pallas_call(
        body,
        grid=(n_pad // blk,),
        in_specs=[
            pl.BlockSpec((blk, fin), lambda i: (i, 0)),
            pl.BlockSpec((fin, fout), lambda i: (0, 0)),
            pl.BlockSpec((_NC, blk), lambda i: (0, i)),
        ],
        out_specs=pl.BlockSpec((blk, fout), lambda i: (i, 0)),
        out_shape=jax.ShapeDtypeStruct((n_pad, fout), jnp.float32),
    )(xp, w, degp)


def _combine_mid(p, g1, b1, degp, blk):
    n_pad, f = g1.shape

    def body(p_ref, g_ref, b_ref, d_ref, o_ref):
        deg = d_ref[0, :] + d_ref[1, :] - 1.0
        dinv = lax.rsqrt(deg)[:, None]
        s = p_ref[0] + p_ref[1] - g_ref[...]
        z = jnp.maximum(s * dinv + b_ref[...], 0.0)
        o_ref[...] = z * dinv

    return pl.pallas_call(
        body,
        grid=(n_pad // blk,),
        in_specs=[
            pl.BlockSpec((_NC, blk, f), lambda i: (0, i, 0)),
            pl.BlockSpec((blk, f), lambda i: (i, 0)),
            pl.BlockSpec((1, f), lambda i: (0, 0)),
            pl.BlockSpec((_NC, blk), lambda i: (0, i)),
        ],
        out_specs=pl.BlockSpec((blk, f), lambda i: (i, 0)),
        out_shape=jax.ShapeDtypeStruct((n_pad, f), jnp.float32),
    )(p, g1, b1, degp)


def _combine_mm(q, g2, w2, b2, degp, blk):
    n_pad, f = g2.shape
    fout = w2.shape[1]

    def body(q_ref, g_ref, w_ref, b_ref, d_ref, o_ref):
        deg = d_ref[0, :] + d_ref[1, :] - 1.0
        dinv = lax.rsqrt(deg)[:, None]
        a = (q_ref[0] + q_ref[1] - g_ref[...]) * dinv
        o_ref[...] = (
            jnp.dot(a, w_ref[...], preferred_element_type=jnp.float32)
            + b_ref[...]
        )

    return pl.pallas_call(
        body,
        grid=(n_pad // blk,),
        in_specs=[
            pl.BlockSpec((_NC, blk, f), lambda i: (0, i, 0)),
            pl.BlockSpec((blk, f), lambda i: (i, 0)),
            pl.BlockSpec((f, fout), lambda i: (0, 0)),
            pl.BlockSpec((1, fout), lambda i: (0, 0)),
            pl.BlockSpec((_NC, blk), lambda i: (0, i)),
        ],
        out_specs=pl.BlockSpec((blk, fout), lambda i: (i, 0)),
        out_shape=jax.ShapeDtypeStruct((n_pad, fout), jnp.float32),
    )(q, g2, w2, b2, degp)


def kernel(x, edge_index, W1, b1, W2, b2):
    n, fin = x.shape
    e = edge_index.shape[1]
    f = W1.shape[1]

    blk = 1024
    n_pad = (n // blk + 1) * blk
    e_pad = -(-e // (_NW * _CW)) * (_NW * _CW)
    chunks = e_pad // (_NW * _CW)

    src = edge_index[0].astype(jnp.int32)
    dst = edge_index[1].astype(jnp.int32)
    src = jnp.concatenate([src, jnp.zeros((e_pad - e,), jnp.int32)])
    dst = jnp.concatenate([dst, jnp.full((e_pad - e,), n, jnp.int32)])
    srcr = src.reshape(_NW, chunks, _CW)
    dstr = dst.reshape(_NW, chunks, _CW)

    xp = jnp.pad(x, ((0, n_pad - n), (0, 0)))
    ones = jnp.ones((n_pad // _NS,), jnp.float32)
    b1r = b1.reshape(1, f)
    b2r = b2.reshape(1, fin)

    degp = _make_deg_kernel(n_pad, chunks)(dstr, ones)
    g1 = _mm_scale(xp, W1, degp, blk)
    agg = _make_agg_kernel(n_pad, chunks, f)
    p = agg(g1, srcr, dstr)
    g2 = _combine_mid(p, g1, b1r, degp, blk)
    q = agg(g2, srcr, dstr)
    outp = _combine_mm(q, g2, W2, b2r, degp, blk)
    return outp[:n]

# --- scband reference (transcript-rebuilt; emitter-appended) ---
"""Pipeline reference for scband-gcnencoder-12335146074225 (READ-ONLY COPY).

The authoritative reference and input builder live on the scoring server;
editing this copy changes nothing except your own understanding.
"""

import jax, jax.numpy as jnp
import numpy as np

N_NODES = 10000


def _gcn_conv(x, edge_index, W, b):
    # x: [N, Fin], edge_index: [2, E]
    n = x.shape[0]
    h = x @ W  # linear transform first (PyG GCNConv default)
    src = edge_index[0]
    dst = edge_index[1]
    # add self-loops
    loop = jnp.arange(n, dtype=edge_index.dtype)
    src = jnp.concatenate([src, loop])
    dst = jnp.concatenate([dst, loop])
    # symmetric normalization: deg computed on dst (in-degree incl. self-loops)
    ones = jnp.ones(src.shape[0], dtype=h.dtype)
    deg = jnp.zeros((n,), dtype=h.dtype).at[dst].add(ones)
    dinv = jnp.where(deg > 0, jax.lax.rsqrt(deg), 0.0)
    norm = dinv[src] * dinv[dst]
    msgs = h[src] * norm[:, None]
    out = jnp.zeros((n, h.shape[1]), dtype=h.dtype).at[dst].add(msgs)
    return out + b


def setup_inputs(seed: int = 0) -> dict:
    key = jax.random.key(seed)
    k1, k2, k3, k4, k5, k6 = jax.random.split(key, 6)
    x = jax.random.normal(k1, (N_NODES, 256), dtype=jnp.float32)
    edge_index = jax.random.randint(k2, (2, 160000), 0, N_NODES, dtype=jnp.int64)
    # conv1: 256 -> 128, conv2: 128 -> 256 (glorot-style init)
    W1 = jax.random.normal(k3, (256, 128), dtype=jnp.float32) * (1.0 / np.sqrt(256))
    b1 = jnp.zeros((128,), dtype=jnp.float32)
    W2 = jax.random.normal(k4, (128, 256), dtype=jnp.float32) * (1.0 / np.sqrt(128))
    b2 = jnp.zeros((256,), dtype=jnp.float32)
    return {"x": x, "edge_index": edge_index, "W1": W1, "b1": b1, "W2": W2, "b2": b2}


def reference(x, edge_index, W1, b1, W2, b2):
    h = _gcn_conv(x, edge_index, W1, b1)
    h = jax.nn.relu(h)
    # F.dropout with training=False (eval mode) is identity; deterministic reference
    out = _gcn_conv(h, edge_index, W2, b2)
    return out

if __name__ == "__main__":
    import jax
    _d = setup_inputs()
    print(jax.jit(kernel)(*tuple(_d.values())))

</pallas_src>

<mosaic_0001>
#map = affine_map<(d0, d1) -> (0, 0)>
#map1 = affine_map<(d0, d1) -> (0, 0, 0)>
module attributes {stable_mosaic.version = 14 : i64} {
  func.func @agg_kernel(%arg0: i32, %arg1: i32, %arg2: memref<10240x128xf32, #tpu.memory_space<hbm>>, %arg3: memref<32x40x128xi32, #tpu.memory_space<hbm>>, %arg4: memref<32x40x128xi32, #tpu.memory_space<hbm>>, %arg5: memref<2x10240x128xf32, #tpu.memory_space<hbm>>, %arg6: memref<40x128xi32, #tpu.memory_space<vmem>>, %arg7: memref<40x128xi32, #tpu.memory_space<vmem>>, %arg8: memref<128x128xf32, #tpu.memory_space<vmem>>, %arg9: memref<10240x128xf32, #tpu.memory_space<vmem_shared>>, %arg10: memref<!tpu.dma_semaphore, #tpu.memory_space<semaphore_mem>>) attributes {dimension_semantics = [#tpu.dimension_semantics<core_parallel>, #tpu.dimension_semantics<subcore_parallel>], iteration_bounds = array<i64: 2, 16>, scalar_prefetch = 0 : i64, scratch_operands = 5 : i64, tpu.core_type = #tpu.core_type<sc_vector_subcore>, window_params = [{transform_indices = #map}, {transform_indices = #map1}, {transform_indices = #map1}, {transform_indices = #map1}]} {
    %mul3A = arith.constant 2 : i32
    %mul3A_0 = arith.muli %arg1, %mul3A : i32
    %add3A = arith.addi %mul3A_0, %arg0 : i32
    %mul3A_1 = arith.constant 640 : i32
    %mul3A_2 = arith.muli %arg1, %mul3A_1 : i32
    %mul3A_3 = arith.constant 640 : i32
    %mul3A_4 = arith.muli %arg1, %mul3A_3 : i32
    "tpu.region"() ({
      %run_scoped3A = tpu.sem_alloc : memref<!tpu.dma_semaphore, #tpu.memory_space<semaphore_mem>>
      %dma_start3A = arith.constant 0 : i32
      %dma_start3A_16 = tpu.memref_slice %arg9[%mul3A_4, %dma_start3A] : memref<10240x128xf32, #tpu.memory_space<vmem_shared>> -> memref<640x128xf32, #tpu.memory_space<vmem_shared>>
      %dma_start3A_17 = arith.constant 0 : i32
      %dma_start3A_18 = tpu.memref_slice %arg2[%mul3A_2, %dma_start3A_17] : memref<10240x128xf32, #tpu.memory_space<hbm>> -> memref<640x128xf32, #tpu.memory_space<hbm>>
      tpu.enqueue_dma source(%dma_start3A_18 : memref<640x128xf32, #tpu.memory_space<hbm>>) target(%dma_start3A_16 : memref<640x128xf32, #tpu.memory_space<vmem_shared>>) target_semaphore(%run_scoped3A : memref<!tpu.dma_semaphore, #tpu.memory_space<semaphore_mem>>)
      %dma_wait3A = arith.constant 0 : i32
      %dma_wait3A_19 = tpu.memref_slice %arg9[%mul3A_4, %dma_wait3A] : memref<10240x128xf32, #tpu.memory_space<vmem_shared>> -> memref<640x128xf32, #tpu.memory_space<vmem_shared>>
      %dma_wait3A_20 = arith.constant 0 : i32
      %dma_wait3A_21 = tpu.memref_slice %arg2[%mul3A_2, %dma_wait3A_20] : memref<10240x128xf32, #tpu.memory_space<hbm>> -> memref<640x128xf32, #tpu.memory_space<hbm>>
      tpu.wait_dma2 semaphore(%run_scoped3A : memref<!tpu.dma_semaphore, #tpu.memory_space<semaphore_mem>>) src(%dma_wait3A_21 : memref<640x128xf32, #tpu.memory_space<hbm>>) dst(%dma_wait3A_19 : memref<640x128xf32, #tpu.memory_space<vmem_shared>>)
      tpu.yield
    }) : () -> ()
    "tpu.region"() ({
      %run_scoped3A = tpu.sem_alloc : memref<!tpu.dma_semaphore, #tpu.memory_space<semaphore_mem>>
      %dma_start3A = arith.constant 0 : i32
      %dma_start3A_16 = arith.constant 0 : i32
      %dma_start3A_17 = tpu.memref_slice %arg3[%add3A, %dma_start3A, %dma_start3A_16] : memref<32x40x128xi32, #tpu.memory_space<hbm>> -> memref<1x40x128xi32, #tpu.memory_space<hbm>>
      %dma_start3A_18 = tpu.memref_squeeze %dma_start3A_17 : memref<1x40x128xi32, #tpu.memory_space<hbm>> -> memref<40x128xi32, #tpu.memory_space<hbm>>
      %dma_start3A_19 = arith.constant 0 : i32
      %dma_start3A_20 = arith.constant 0 : i32
      %dma_start3A_21 = tpu.memref_slice %arg3[%add3A, %dma_start3A_19, %dma_start3A_20] : memref<32x40x128xi32, #tpu.memory_space<hbm>> -> memref<1x40x128xi32, #tpu.memory_space<hbm>>
      %dma_start3A_22 = tpu.memref_squeeze %dma_start3A_21 : memref<1x40x128xi32, #tpu.memory_space<hbm>> -> memref<40x128xi32, #tpu.memory_space<hbm>>
      tpu.enqueue_dma source(%dma_start3A_22 : memref<40x128xi32, #tpu.memory_space<hbm>>) target(%arg6 : memref<40x128xi32, #tpu.memory_space<vmem>>) target_semaphore(%run_scoped3A : memref<!tpu.dma_semaphore, #tpu.memory_space<semaphore_mem>>)
      %dma_wait3A = arith.constant 0 : i32
      %dma_wait3A_23 = arith.constant 0 : i32
      %dma_wait3A_24 = tpu.memref_slice %arg3[%add3A, %dma_wait3A, %dma_wait3A_23] : memref<32x40x128xi32, #tpu.memory_space<hbm>> -> memref<1x40x128xi32, #tpu.memory_space<hbm>>
      %dma_wait3A_25 = tpu.memref_squeeze %dma_wait3A_24 : memref<1x40x128xi32, #tpu.memory_space<hbm>> -> memref<40x128xi32, #tpu.memory_space<hbm>>
      %dma_wait3A_26 = arith.constant 0 : i32
      %dma_wait3A_27 = arith.constant 0 : i32
      %dma_wait3A_28 = tpu.memref_slice %arg3[%add3A, %dma_wait3A_26, %dma_wait3A_27] : memref<32x40x128xi32, #tpu.memory_space<hbm>> -> memref<1x40x128xi32, #tpu.memory_space<hbm>>
      %dma_wait3A_29 = tpu.memref_squeeze %dma_wait3A_28 : memref<1x40x128xi32, #tpu.memory_space<hbm>> -> memref<40x128xi32, #tpu.memory_space<hbm>>
      tpu.wait_dma2 semaphore(%run_scoped3A : memref<!tpu.dma_semaphore, #tpu.memory_space<semaphore_mem>>) src(%dma_wait3A_29 : memref<40x128xi32, #tpu.memory_space<hbm>>) dst(%arg6 : memref<40x128xi32, #tpu.memory_space<vmem>>)
      tpu.yield
    }) : () -> ()
    "tpu.region"() ({
      %run_scoped3A = tpu.sem_alloc : memref<!tpu.dma_semaphore, #tpu.memory_space<semaphore_mem>>
      %dma_start3A = arith.constant 0 : i32
      %dma_start3A_16 = arith.constant 0 : i32
      %dma_start3A_17 = tpu.memref_slice %arg4[%add3A, %dma_start3A, %dma_start3A_16] : memref<32x40x128xi32, #tpu.memory_space<hbm>> -> memref<1x40x128xi32, #tpu.memory_space<hbm>>
      %dma_start3A_18 = tpu.memref_squeeze %dma_start3A_17 : memref<1x40x128xi32, #tpu.memory_space<hbm>> -> memref<40x128xi32, #tpu.memory_space<hbm>>
      %dma_start3A_19 = arith.constant 0 : i32
      %dma_start3A_20 = arith.constant 0 : i32
      %dma_start3A_21 = tpu.memref_slice %arg4[%add3A, %dma_start3A_19, %dma_start3A_20] : memref<32x40x128xi32, #tpu.memory_space<hbm>> -> memref<1x40x128xi32, #tpu.memory_space<hbm>>
      %dma_start3A_22 = tpu.memref_squeeze %dma_start3A_21 : memref<1x40x128xi32, #tpu.memory_space<hbm>> -> memref<40x128xi32, #tpu.memory_space<hbm>>
      tpu.enqueue_dma source(%dma_start3A_22 : memref<40x128xi32, #tpu.memory_space<hbm>>) target(%arg7 : memref<40x128xi32, #tpu.memory_space<vmem>>) target_semaphore(%run_scoped3A : memref<!tpu.dma_semaphore, #tpu.memory_space<semaphore_mem>>)
      %dma_wait3A = arith.constant 0 : i32
      %dma_wait3A_23 = arith.constant 0 : i32
      %dma_wait3A_24 = tpu.memref_slice %arg4[%add3A, %dma_wait3A, %dma_wait3A_23] : memref<32x40x128xi32, #tpu.memory_space<hbm>> -> memref<1x40x128xi32, #tpu.memory_space<hbm>>
      %dma_wait3A_25 = tpu.memref_squeeze %dma_wait3A_24 : memref<1x40x128xi32, #tpu.memory_space<hbm>> -> memref<40x128xi32, #tpu.memory_space<hbm>>
      %dma_wait3A_26 = arith.constant 0 : i32
      %dma_wait3A_27 = arith.constant 0 : i32
      %dma_wait3A_28 = tpu.memref_slice %arg4[%add3A, %dma_wait3A_26, %dma_wait3A_27] : memref<32x40x128xi32, #tpu.memory_space<hbm>> -> memref<1x40x128xi32, #tpu.memory_space<hbm>>
      %dma_wait3A_29 = tpu.memref_squeeze %dma_wait3A_28 : memref<1x40x128xi32, #tpu.memory_space<hbm>> -> memref<40x128xi32, #tpu.memory_space<hbm>>
      tpu.wait_dma2 semaphore(%run_scoped3A : memref<!tpu.dma_semaphore, #tpu.memory_space<semaphore_mem>>) src(%dma_wait3A_29 : memref<40x128xi32, #tpu.memory_space<hbm>>) dst(%arg7 : memref<40x128xi32, #tpu.memory_space<vmem>>)
      tpu.yield
    }) : () -> ()
    %barrier3A = arith.constant 0 : index
    tpu.barrier barrier_id(%barrier3A)
    %scan3A = arith.constant 0 : i32
    %scan3A_5 = arith.constant 0 : i32
    %scan3A_6 = arith.constant 40 : i32
    %scan3A_7 = arith.addi %scan3A_5, %scan3A_6 : i32
    %scan3A_8 = arith.constant 1 : i32
    %scan3A_9 = scf.for %scan3A_16 = %scan3A_5 to %scan3A_7 step %scan3A_8 iter_args(%scan3A_17 = %scan3A) -> (i32)  : i32 {
      %dma_start3A = arith.constant 0 : i32
      %dma_start3A_18 = tpu.memref_slice %arg6[%scan3A_16, %dma_start3A] : memref<40x128xi32, #tpu.memory_space<vmem>> -> memref<1x128xi32, #tpu.memory_space<vmem>>
      %dma_start3A_19 = tpu.memref_squeeze %dma_start3A_18 : memref<1x128xi32, #tpu.memory_space<vmem>> -> memref<128xi32, #tpu.memory_space<vmem>>
      %dma_start3A_20 = arith.constant 0 : i32
      %dma_start3A_21 = arith.constant 0 : i32
      %dma_start3A_22 = tpu.memref_slice %arg2[%dma_start3A_20, %dma_start3A_21] : memref<10240x128xf32, #tpu.memory_space<hbm>> -> memref<10240x128xf32, #tpu.memory_space<hbm>>
      tpu.enqueue_indirect_dma source(%dma_start3A_22 : memref<10240x128xf32, #tpu.memory_space<hbm>>) target(%arg8 : memref<128x128xf32, #tpu.memory_space<vmem>>) offsets(%dma_start3A_19 : memref<128xi32, #tpu.memory_space<vmem>>) semaphore(%arg10 : memref<!tpu.dma_semaphore, #tpu.memory_space<semaphore_mem>>)
      %dma_wait3A = arith.constant 0 : i32
      %dma_wait3A_23 = tpu.memref_slice %arg6[%scan3A_16, %dma_wait3A] : memref<40x128xi32, #tpu.memory_space<vmem>> -> memref<1x128xi32, #tpu.memory_space<vmem>>
      %dma_wait3A_24 = tpu.memref_squeeze %dma_wait3A_23 : memref<1x128xi32, #tpu.memory_space<vmem>> -> memref<128xi32, #tpu.memory_space<vmem>>
      %dma_wait3A_25 = arith.constant 0 : i32
      %dma_wait3A_26 = arith.constant 0 : i32
      %dma_wait3A_27 = tpu.memref_slice %arg2[%dma_wait3A_25, %dma_wait3A_26] : memref<10240x128xf32, #tpu.memory_space<hbm>> -> memref<10240x128xf32, #tpu.memory_space<hbm>>
      tpu.wait_indirect_dma semaphore(%arg10 : memref<!tpu.dma_semaphore, #tpu.memory_space<semaphore_mem>>) src(%dma_wait3A_27 : memref<10240x128xf32, #tpu.memory_space<hbm>>) dst(%arg8 : memref<128x128xf32, #tpu.memory_space<vmem>>)
      "tpu.region"() ({
        %run_scoped3A = tpu.sem_alloc : memref<!tpu.dma_semaphore, #tpu.memory_space<semaphore_mem>>
        %dma_start3A_29 = arith.constant 0 : i32
        %dma_start3A_30 = tpu.memref_slice %arg7[%scan3A_16, %dma_start3A_29] : memref<40x128xi32, #tpu.memory_space<vmem>> -> memref<1x128xi32, #tpu.memory_space<vmem>>
        %dma_start3A_31 = tpu.memref_squeeze %dma_start3A_30 : memref<1x128xi32, #tpu.memory_space<vmem>> -> memref<128xi32, #tpu.memory_space<vmem>>
        %dma_start3A_32 = arith.constant 0 : i32
        %dma_start3A_33 = arith.constant 0 : i32
        %dma_start3A_34 = tpu.memref_slice %arg9[%dma_start3A_32, %dma_start3A_33] : memref<10240x128xf32, #tpu.memory_space<vmem_shared>> -> memref<10240x128xf32, #tpu.memory_space<vmem_shared>>
        tpu.enqueue_indirect_dma source(%arg8 : memref<128x128xf32, #tpu.memory_space<vmem>>) target(%dma_start3A_34 : memref<10240x128xf32, #tpu.memory_space<vmem_shared>>) offsets(%dma_start3A_31 : memref<128xi32, #tpu.memory_space<vmem>>) semaphore(%run_scoped3A : memref<!tpu.dma_semaphore, #tpu.memory_space<semaphore_mem>>) {add = true}
        %dma_wait3A_35 = arith.constant 0 : i32
        %dma_wait3A_36 = tpu.memref_slice %arg7[%scan3A_16, %dma_wait3A_35] : memref<40x128xi32, #tpu.memory_space<vmem>> -> memref<1x128xi32, #tpu.memory_space<vmem>>
        %dma_wait3A_37 = tpu.memref_squeeze %dma_wait3A_36 : memref<1x128xi32, #tpu.memory_space<vmem>> -> memref<128xi32, #tpu.memory_space<vmem>>
        %dma_wait3A_38 = arith.constant 0 : i32
        %dma_wait3A_39 = arith.constant 0 : i32
        %dma_wait3A_40 = tpu.memref_slice %arg9[%dma_wait3A_38, %dma_wait3A_39] : memref<10240x128xf32, #tpu.memory_space<vmem_shared>> -> memref<10240x128xf32, #tpu.memory_space<vmem_shared>>
        tpu.wait_indirect_dma semaphore(%run_scoped3A : memref<!tpu.dma_semaphore, #tpu.memory_space<semaphore_mem>>) src(%arg8 : memref<128x128xf32, #tpu.memory_space<vmem>>) dst(%dma_wait3A_40 : memref<10240x128xf32, #tpu.memory_space<vmem_shared>>)
        tpu.yield
      }) : () -> ()
      %scan3A_28 = arith.constant 0 : i32
      scf.yield %scan3A_28 : i32
    }
    %scan3A_10 = arith.constant 40 : i32
    %barrier3A_11 = arith.constant 0 : index
    tpu.barrier barrier_id(%barrier3A_11)
    %mul3A_12 = arith.constant 640 : i32
    %mul3A_13 = arith.muli %arg1, %mul3A_12 : i32
    %mul3A_14 = arith.constant 640 : i32
    %mul3A_15 = arith.muli %arg1, %mul3A_14 : i32
    "tpu.region"() ({
      %run_scoped3A = tpu.sem_alloc : memref<!tpu.dma_semaphore, #tpu.memory_space<semaphore_mem>>
      %dma_start3A = arith.constant 0 : i32
      %dma_start3A_16 = tpu.memref_slice %arg5[%arg0, %mul3A_15, %dma_start3A] : memref<2x10240x128xf32, #tpu.memory_space<hbm>> -> memref<1x640x128xf32, #tpu.memory_space<hbm>>
      %dma_start3A_17 = tpu.memref_squeeze %dma_start3A_16 : memref<1x640x128xf32, #tpu.memory_space<hbm>> -> memref<640x128xf32, #tpu.memory_space<hbm>>
      %dma_start3A_18 = arith.constant 0 : i32
      %dma_start3A_19 = tpu.memref_slice %arg9[%mul3A_13, %dma_start3A_18] : memref<10240x128xf32, #tpu.memory_space<vmem_shared>> -> memref<640x128xf32, #tpu.memory_space<vmem_shared>>
      tpu.enqueue_dma source(%dma_start3A_19 : memref<640x128xf32, #tpu.memory_space<vmem_shared>>) target(%dma_start3A_17 : memref<640x128xf32, #tpu.memory_space<hbm>>) target_semaphore(%run_scoped3A : memref<!tpu.dma_semaphore, #tpu.memory_space<semaphore_mem>>)
      %dma_wait3A = arith.constant 0 : i32
      %dma_wait3A_20 = tpu.memref_slice %arg5[%arg0, %mul3A_15, %dma_wait3A] : memref<2x10240x128xf32, #tpu.memory_space<hbm>> -> memref<1x640x128xf32, #tpu.memory_space<hbm>>
      %dma_wait3A_21 = tpu.memref_squeeze %dma_wait3A_20 : memref<1x640x128xf32, #tpu.memory_space<hbm>> -> memref<640x128xf32, #tpu.memory_space<hbm>>
      %dma_wait3A_22 = arith.constant 0 : i32
      %dma_wait3A_23 = tpu.memref_slice %arg9[%mul3A_13, %dma_wait3A_22] : memref<10240x128xf32, #tpu.memory_space<vmem_shared>> -> memref<640x128xf32, #tpu.memory_space<vmem_shared>>
      tpu.wait_dma2 semaphore(%run_scoped3A : memref<!tpu.dma_semaphore, #tpu.memory_space<semaphore_mem>>) src(%dma_wait3A_23 : memref<640x128xf32, #tpu.memory_space<vmem_shared>>) dst(%dma_wait3A_21 : memref<640x128xf32, #tpu.memory_space<hbm>>)
      tpu.yield
    }) : () -> ()
    return
  }
}

#map = affine_map<(d0, d1) -> (0, 0)>
#map1 = affine_map<(d0, d1) -> (0, 0, 0)>
module attributes {stable_mosaic.version = 14 : i64} {
  func.func @agg_kernel(%arg0: i32, %arg1: i32, %arg2: memref<10240x128xf32, #tpu.memory_space<hbm>>, %arg3: memref<32x40x128xi32, #tpu.memory_space<hbm>>, %arg4: memref<32x40x128xi32, #tpu.memory_space<hbm>>, %arg5: memref<2x10240x128xf32, #tpu.memory_space<hbm>>, %arg6: memref<40x128xi32, #tpu.memory_space<vmem>>, %arg7: memref<40x128xi32, #tpu.memory_space<vmem>>, %arg8: memref<128x128xf32, #tpu.memory_space<vmem>>, %arg9: memref<10240x128xf32, #tpu.memory_space<vmem_shared>>, %arg10: memref<!tpu.dma_semaphore, #tpu.memory_space<semaphore_mem>>) attributes {dimension_semantics = [#tpu.dimension_semantics<core_parallel>, #tpu.dimension_semantics<subcore_parallel>], iteration_bounds = array<i64: 2, 16>, scalar_prefetch = 0 : i64, scratch_operands = 5 : i64, tpu.core_type = #tpu.core_type<sc_vector_subcore>, window_params = [{transform_indices = #map}, {transform_indices = #map1}, {transform_indices = #map1}, {transform_indices = #map1}]} {
    %mul3A = arith.constant 2 : i32
    %mul3A_0 = arith.muli %arg1, %mul3A : i32
    %add3A = arith.addi %mul3A_0, %arg0 : i32
    %mul3A_1 = arith.constant 640 : i32
    %mul3A_2 = arith.muli %arg1, %mul3A_1 : i32
    %mul3A_3 = arith.constant 640 : i32
    %mul3A_4 = arith.muli %arg1, %mul3A_3 : i32
    "tpu.region"() ({
      %run_scoped3A = tpu.sem_alloc : memref<!tpu.dma_semaphore, #tpu.memory_space<semaphore_mem>>
      %dma_start3A = arith.constant 0 : i32
      %dma_start3A_16 = tpu.memref_slice %arg9[%mul3A_4, %dma_start3A] : memref<10240x128xf32, #tpu.memory_space<vmem_shared>> -> memref<640x128xf32, #tpu.memory_space<vmem_shared>>
      %dma_start3A_17 = arith.constant 0 : i32
      %dma_start3A_18 = tpu.memref_slice %arg2[%mul3A_2, %dma_start3A_17] : memref<10240x128xf32, #tpu.memory_space<hbm>> -> memref<640x128xf32, #tpu.memory_space<hbm>>
      tpu.enqueue_dma source(%dma_start3A_18 : memref<640x128xf32, #tpu.memory_space<hbm>>) target(%dma_start3A_16 : memref<640x128xf32, #tpu.memory_space<vmem_shared>>) target_semaphore(%run_scoped3A : memref<!tpu.dma_semaphore, #tpu.memory_space<semaphore_mem>>)
      %dma_wait3A = arith.constant 0 : i32
      %dma_wait3A_19 = tpu.memref_slice %arg9[%mul3A_4, %dma_wait3A] : memref<10240x128xf32, #tpu.memory_space<vmem_shared>> -> memref<640x128xf32, #tpu.memory_space<vmem_shared>>
      %dma_wait3A_20 = arith.constant 0 : i32
      %dma_wait3A_21 = tpu.memref_slice %arg2[%mul3A_2, %dma_wait3A_20] : memref<10240x128xf32, #tpu.memory_space<hbm>> -> memref<640x128xf32, #tpu.memory_space<hbm>>
      tpu.wait_dma2 semaphore(%run_scoped3A : memref<!tpu.dma_semaphore, #tpu.memory_space<semaphore_mem>>) src(%dma_wait3A_21 : memref<640x128xf32, #tpu.memory_space<hbm>>) dst(%dma_wait3A_19 : memref<640x128xf32, #tpu.memory_space<vmem_shared>>)
      tpu.yield
    }) : () -> ()
    "tpu.region"() ({
      %run_scoped3A = tpu.sem_alloc : memref<!tpu.dma_semaphore, #tpu.memory_space<semaphore_mem>>
      %dma_start3A = arith.constant 0 : i32
      %dma_start3A_16 = arith.constant 0 : i32
      %dma_start3A_17 = tpu.memref_slice %arg3[%add3A, %dma_start3A, %dma_start3A_16] : memref<32x40x128xi32, #tpu.memory_space<hbm>> -> memref<1x40x128xi32, #tpu.memory_space<hbm>>
      %dma_start3A_18 = tpu.memref_squeeze %dma_start3A_17 : memref<1x40x128xi32, #tpu.memory_space<hbm>> -> memref<40x128xi32, #tpu.memory_space<hbm>>
      %dma_start3A_19 = arith.constant 0 : i32
      %dma_start3A_20 = arith.constant 0 : i32
      %dma_start3A_21 = tpu.memref_slice %arg3[%add3A, %dma_start3A_19, %dma_start3A_20] : memref<32x40x128xi32, #tpu.memory_space<hbm>> -> memref<1x40x128xi32, #tpu.memory_space<hbm>>
      %dma_start3A_22 = tpu.memref_squeeze %dma_start3A_21 : memref<1x40x128xi32, #tpu.memory_space<hbm>> -> memref<40x128xi32, #tpu.memory_space<hbm>>
      tpu.enqueue_dma source(%dma_start3A_22 : memref<40x128xi32, #tpu.memory_space<hbm>>) target(%arg6 : memref<40x128xi32, #tpu.memory_space<vmem>>) target_semaphore(%run_scoped3A : memref<!tpu.dma_semaphore, #tpu.memory_space<semaphore_mem>>)
      %dma_wait3A = arith.constant 0 : i32
      %dma_wait3A_23 = arith.constant 0 : i32
      %dma_wait3A_24 = tpu.memref_slice %arg3[%add3A, %dma_wait3A, %dma_wait3A_23] : memref<32x40x128xi32, #tpu.memory_space<hbm>> -> memref<1x40x128xi32, #tpu.memory_space<hbm>>
      %dma_wait3A_25 = tpu.memref_squeeze %dma_wait3A_24 : memref<1x40x128xi32, #tpu.memory_space<hbm>> -> memref<40x128xi32, #tpu.memory_space<hbm>>
      %dma_wait3A_26 = arith.constant 0 : i32
      %dma_wait3A_27 = arith.constant 0 : i32
      %dma_wait3A_28 = tpu.memref_slice %arg3[%add3A, %dma_wait3A_26, %dma_wait3A_27] : memref<32x40x128xi32, #tpu.memory_space<hbm>> -> memref<1x40x128xi32, #tpu.memory_space<hbm>>
      %dma_wait3A_29 = tpu.memref_squeeze %dma_wait3A_28 : memref<1x40x128xi32, #tpu.memory_space<hbm>> -> memref<40x128xi32, #tpu.memory_space<hbm>>
      tpu.wait_dma2 semaphore(%run_scoped3A : memref<!tpu.dma_semaphore, #tpu.memory_space<semaphore_mem>>) src(%dma_wait3A_29 : memref<40x128xi32, #tpu.memory_space<hbm>>) dst(%arg6 : memref<40x128xi32, #tpu.memory_space<vmem>>)
      tpu.yield
    }) : () -> ()
    "tpu.region"() ({
      %run_scoped3A = tpu.sem_alloc : memref<!tpu.dma_semaphore, #tpu.memory_space<semaphore_mem>>
      %dma_start3A = arith.constant 0 : i32
      %dma_start3A_16 = arith.constant 0 : i32
      %dma_start3A_17 = tpu.memref_slice %arg4[%add3A, %dma_start3A, %dma_start3A_16] : memref<32x40x128xi32, #tpu.memory_space<hbm>> -> memref<1x40x128xi32, #tpu.memory_space<hbm>>
      %dma_start3A_18 = tpu.memref_squeeze %dma_start3A_17 : memref<1x40x128xi32, #tpu.memory_space<hbm>> -> memref<40x128xi32, #tpu.memory_space<hbm>>
      %dma_start3A_19 = arith.constant 0 : i32
      %dma_start3A_20 = arith.constant 0 : i32
      %dma_start3A_21 = tpu.memref_slice %arg4[%add3A, %dma_start3A_19, %dma_start3A_20] : memref<32x40x128xi32, #tpu.memory_space<hbm>> -> memref<1x40x128xi32, #tpu.memory_space<hbm>>
      %dma_start3A_22 = tpu.memref_squeeze %dma_start3A_21 : memref<1x40x128xi32, #tpu.memory_space<hbm>> -> memref<40x128xi32, #tpu.memory_space<hbm>>
      tpu.enqueue_dma source(%dma_start3A_22 : memref<40x128xi32, #tpu.memory_space<hbm>>) target(%arg7 : memref<40x128xi32, #tpu.memory_space<vmem>>) target_semaphore(%run_scoped3A : memref<!tpu.dma_semaphore, #tpu.memory_space<semaphore_mem>>)
      %dma_wait3A = arith.constant 0 : i32
      %dma_wait3A_23 = arith.constant 0 : i32
      %dma_wait3A_24 = tpu.memref_slice %arg4[%add3A, %dma_wait3A, %dma_wait3A_23] : memref<32x40x128xi32, #tpu.memory_space<hbm>> -> memref<1x40x128xi32, #tpu.memory_space<hbm>>
      %dma_wait3A_25 = tpu.memref_squeeze %dma_wait3A_24 : memref<1x40x128xi32, #tpu.memory_space<hbm>> -> memref<40x128xi32, #tpu.memory_space<hbm>>
      %dma_wait3A_26 = arith.constant 0 : i32
      %dma_wait3A_27 = arith.constant 0 : i32
      %dma_wait3A_28 = tpu.memref_slice %arg4[%add3A, %dma_wait3A_26, %dma_wait3A_27] : memref<32x40x128xi32, #tpu.memory_space<hbm>> -> memref<1x40x128xi32, #tpu.memory_space<hbm>>
      %dma_wait3A_29 = tpu.memref_squeeze %dma_wait3A_28 : memref<1x40x128xi32, #tpu.memory_space<hbm>> -> memref<40x128xi32, #tpu.memory_space<hbm>>
      tpu.wait_dma2 semaphore(%run_scoped3A : memref<!tpu.dma_semaphore, #tpu.memory_space<semaphore_mem>>) src(%dma_wait3A_29 : memref<40x128xi32, #tpu.memory_space<hbm>>) dst(%arg7 : memref<40x128xi32, #tpu.memory_space<vmem>>)
      tpu.yield
    }) : () -> ()
    %barrier3A = arith.constant 0 : index
    tpu.barrier barrier_id(%barrier3A)
    %scan3A = arith.constant 0 : i32
    %scan3A_5 = arith.constant 0 : i32
    %scan3A_6 = arith.constant 40 : i32
    %scan3A_7 = arith.addi %scan3A_5, %scan3A_6 : i32
    %scan3A_8 = arith.constant 1 : i32
    %scan3A_9 = scf.for %scan3A_16 = %scan3A_5 to %scan3A_7 step %scan3A_8 iter_args(%scan3A_17 = %scan3A) -> (i32)  : i32 {
      %dma_start3A = arith.constant 0 : i32
      %dma_start3A_18 = tpu.memref_slice %arg6[%scan3A_16, %dma_start3A] : memref<40x128xi32, #tpu.memory_space<vmem>> -> memref<1x128xi32, #tpu.memory_space<vmem>>
      %dma_start3A_19 = tpu.memref_squeeze %dma_start3A_18 : memref<1x128xi32, #tpu.memory_space<vmem>> -> memref<128xi32, #tpu.memory_space<vmem>>
      %dma_start3A_20 = arith.constant 0 : i32
      %dma_start3A_21 = arith.constant 0 : i32
      %dma_start3A_22 = tpu.memref_slice %arg2[%dma_start3A_20, %dma_start3A_21] : memref<10240x128xf32, #tpu.memory_space<hbm>> -> memref<10240x128xf32, #tpu.memory_space<hbm>>
      tpu.enqueue_indirect_dma source(%dma_start3A_22 : memref<10240x128xf32, #tpu.memory_space<hbm>>) target(%arg8 : memref<128x128xf32, #tpu.memory_space<vmem>>) offsets(%dma_start3A_19 : memref<128xi32, #tpu.memory_space<vmem>>) semaphore(%arg10 : memref<!tpu.dma_semaphore, #tpu.memory_space<semaphore_mem>>)
      %dma_wait3A = arith.constant 0 : i32
      %dma_wait3A_23 = tpu.memref_slice %arg6[%scan3A_16, %dma_wait3A] : memref<40x128xi32, #tpu.memory_space<vmem>> -> memref<1x128xi32, #tpu.memory_space<vmem>>
      %dma_wait3A_24 = tpu.memref_squeeze %dma_wait3A_23 : memref<1x128xi32, #tpu.memory_space<vmem>> -> memref<128xi32, #tpu.memory_space<vmem>>
      %dma_wait3A_25 = arith.constant 0 : i32
      %dma_wait3A_26 = arith.constant 0 : i32
      %dma_wait3A_27 = tpu.memref_slice %arg2[%dma_wait3A_25, %dma_wait3A_26] : memref<10240x128xf32, #tpu.memory_space<hbm>> -> memref<10240x128xf32, #tpu.memory_space<hbm>>
      tpu.wait_indirect_dma semaphore(%arg10 : memref<!tpu.dma_semaphore, #tpu.memory_space<semaphore_mem>>) src(%dma_wait3A_27 : memref<10240x128xf32, #tpu.memory_space<hbm>>) dst(%arg8 : memref<128x128xf32, #tpu.memory_space<vmem>>)
      "tpu.region"() ({
        %run_scoped3A = tpu.sem_alloc : memref<!tpu.dma_semaphore, #tpu.memory_space<semaphore_mem>>
        %dma_start3A_29 = arith.constant 0 : i32
        %dma_start3A_30 = tpu.memref_slice %arg7[%scan3A_16, %dma_start3A_29] : memref<40x128xi32, #tpu.memory_space<vmem>> -> memref<1x128xi32, #tpu.memory_space<vmem>>
        %dma_start3A_31 = tpu.memref_squeeze %dma_start3A_30 : memref<1x128xi32, #tpu.memory_space<vmem>> -> memref<128xi32, #tpu.memory_space<vmem>>
        %dma_start3A_32 = arith.constant 0 : i32
        %dma_start3A_33 = arith.constant 0 : i32
        %dma_start3A_34 = tpu.memref_slice %arg9[%dma_start3A_32, %dma_start3A_33] : memref<10240x128xf32, #tpu.memory_space<vmem_shared>> -> memref<10240x128xf32, #tpu.memory_space<vmem_shared>>
        tpu.enqueue_indirect_dma source(%arg8 : memref<128x128xf32, #tpu.memory_space<vmem>>) target(%dma_start3A_34 : memref<10240x128xf32, #tpu.memory_space<vmem_shared>>) offsets(%dma_start3A_31 : memref<128xi32, #tpu.memory_space<vmem>>) semaphore(%run_scoped3A : memref<!tpu.dma_semaphore, #tpu.memory_space<semaphore_mem>>) {add = true}
        %dma_wait3A_35 = arith.constant 0 : i32
        %dma_wait3A_36 = tpu.memref_slice %arg7[%scan3A_16, %dma_wait3A_35] : memref<40x128xi32, #tpu.memory_space<vmem>> -> memref<1x128xi32, #tpu.memory_space<vmem>>
        %dma_wait3A_37 = tpu.memref_squeeze %dma_wait3A_36 : memref<1x128xi32, #tpu.memory_space<vmem>> -> memref<128xi32, #tpu.memory_space<vmem>>
        %dma_wait3A_38 = arith.constant 0 : i32
        %dma_wait3A_39 = arith.constant 0 : i32
        %dma_wait3A_40 = tpu.memref_slice %arg9[%dma_wait3A_38, %dma_wait3A_39] : memref<10240x128xf32, #tpu.memory_space<vmem_shared>> -> memref<10240x128xf32, #tpu.memory_space<vmem_shared>>
        tpu.wait_indirect_dma semaphore(%run_scoped3A : memref<!tpu.dma_semaphore, #tpu.memory_space<semaphore_mem>>) src(%arg8 : memref<128x128xf32, #tpu.memory_space<vmem>>) dst(%dma_wait3A_40 : memref<10240x128xf32, #tpu.memory_space<vmem_shared>>)
        tpu.yield
      }) : () -> ()
      %scan3A_28 = arith.constant 0 : i32
      scf.yield %scan3A_28 : i32
    }
    %scan3A_10 = arith.constant 40 : i32
    %barrier3A_11 = arith.constant 0 : index
    tpu.barrier barrier_id(%barrier3A_11)
    %mul3A_12 = arith.constant 640 : i32
    %mul3A_13 = arith.muli %arg1, %mul3A_12 : i32
    %mul3A_14 = arith.constant 640 : i32
    %mul3A_15 = arith.muli %arg1, %mul3A_14 : i32
    "tpu.region"() ({
      %run_scoped3A = tpu.sem_alloc : memref<!tpu.dma_semaphore, #tpu.memory_space<semaphore_mem>>
      %dma_start3A = arith.constant 0 : i32
      %dma_start3A_16 = tpu.memref_slice %arg5[%arg0, %mul3A_15, %dma_start3A] : memref<2x10240x128xf32, #tpu.memory_space<hbm>> -> memref<1x640x128xf32, #tpu.memory_space<hbm>>
      %dma_start3A_17 = tpu.memref_squeeze %dma_start3A_16 : memref<1x640x128xf32, #tpu.memory_space<hbm>> -> memref<640x128xf32, #tpu.memory_space<hbm>>
      %dma_start3A_18 = arith.constant 0 : i32
      %dma_start3A_19 = tpu.memref_slice %arg9[%mul3A_13, %dma_start3A_18] : memref<10240x128xf32, #tpu.memory_space<vmem_shared>> -> memref<640x128xf32, #tpu.memory_space<vmem_shared>>
      tpu.enqueue_dma source(%dma_start3A_19 : memref<640x128xf32, #tpu.memory_space<vmem_shared>>) target(%dma_start3A_17 : memref<640x128xf32, #tpu.memory_space<hbm>>) target_semaphore(%run_scoped3A : memref<!tpu.dma_semaphore, #tpu.memory_space<semaphore_mem>>)
      %dma_wait3A = arith.constant 0 : i32
      %dma_wait3A_20 = tpu.memref_slice %arg5[%arg0, %mul3A_15, %dma_wait3A] : memref<2x10240x128xf32, #tpu.memory_space<hbm>> -> memref<1x640x128xf32, #tpu.memory_space<hbm>>
      %dma_wait3A_21 = tpu.memref_squeeze %dma_wait3A_20 : memref<1x640x128xf32, #tpu.memory_space<hbm>> -> memref<640x128xf32, #tpu.memory_space<hbm>>
      %dma_wait3A_22 = arith.constant 0 : i32
      %dma_wait3A_23 = tpu.memref_slice %arg9[%mul3A_13, %dma_wait3A_22] : memref<10240x128xf32, #tpu.memory_space<vmem_shared>> -> memref<640x128xf32, #tpu.memory_space<vmem_shared>>
      tpu.wait_dma2 semaphore(%run_scoped3A : memref<!tpu.dma_semaphore, #tpu.memory_space<semaphore_mem>>) src(%dma_wait3A_23 : memref<640x128xf32, #tpu.memory_space<vmem_shared>>) dst(%dma_wait3A_21 : memref<640x128xf32, #tpu.memory_space<hbm>>)
      tpu.yield
    }) : () -> ()
    return
  }
}

#map = affine_map<(d0, d1) -> (0, 0, 0)>
#map1 = affine_map<(d0, d1) -> (0)>
#map2 = affine_map<(d0, d1) -> (0, 0)>
module attributes {stable_mosaic.version = 14 : i64} {
  func.func @deg_kernel(%arg0: i32, %arg1: i32, %arg2: memref<32x40x128xi32, #tpu.memory_space<hbm>>, %arg3: memref<640xf32, #tpu.memory_space<hbm>>, %arg4: memref<2x10240xf32, #tpu.memory_space<hbm>>, %arg5: memref<40x128xi32, #tpu.memory_space<vmem>>, %arg6: memref<128xf32, #tpu.memory_space<vmem>>, %arg7: memref<10240xf32, #tpu.memory_space<vmem_shared>>) attributes {dimension_semantics = [#tpu.dimension_semantics<core_parallel>, #tpu.dimension_semantics<subcore_parallel>], iteration_bounds = array<i64: 2, 16>, scalar_prefetch = 0 : i64, scratch_operands = 3 : i64, tpu.core_type = #tpu.core_type<sc_vector_subcore>, window_params = [{transform_indices = #map}, {transform_indices = #map1}, {transform_indices = #map2}]} {
    %mul3A = arith.constant 2 : i32
    %mul3A_0 = arith.muli %arg1, %mul3A : i32
    %add3A = arith.addi %mul3A_0, %arg0 : i32
    "tpu.region"() ({
      %run_scoped3A = tpu.sem_alloc : memref<!tpu.dma_semaphore, #tpu.memory_space<semaphore_mem>>
      %dma_start3A = arith.constant 0 : i32
      %dma_start3A_32 = tpu.memref_slice %arg3[%dma_start3A] : memref<640xf32, #tpu.memory_space<hbm>> -> memref<128xf32, #tpu.memory_space<hbm>>
      %dma_start3A_33 = arith.constant 0 : i32
      %dma_start3A_34 = tpu.memref_slice %arg3[%dma_start3A_33] : memref<640xf32, #tpu.memory_space<hbm>> -> memref<128xf32, #tpu.memory_space<hbm>>
      tpu.enqueue_dma source(%dma_start3A_34 : memref<128xf32, #tpu.memory_space<hbm>>) target(%arg6 : memref<128xf32, #tpu.memory_space<vmem>>) target_semaphore(%run_scoped3A : memref<!tpu.dma_semaphore, #tpu.memory_space<semaphore_mem>>)
      %dma_wait3A = arith.constant 0 : i32
      %dma_wait3A_35 = tpu.memref_slice %arg3[%dma_wait3A] : memref<640xf32, #tpu.memory_space<hbm>> -> memref<128xf32, #tpu.memory_space<hbm>>
      %dma_wait3A_36 = arith.constant 0 : i32
      %dma_wait3A_37 = tpu.memref_slice %arg3[%dma_wait3A_36] : memref<640xf32, #tpu.memory_space<hbm>> -> memref<128xf32, #tpu.memory_space<hbm>>
      tpu.wait_dma2 semaphore(%run_scoped3A : memref<!tpu.dma_semaphore, #tpu.memory_space<semaphore_mem>>) src(%dma_wait3A_37 : memref<128xf32, #tpu.memory_space<hbm>>) dst(%arg6 : memref<128xf32, #tpu.memory_space<vmem>>)
      tpu.yield
    }) : () -> ()
    %mul3A_1 = arith.constant 640 : i32
    %mul3A_2 = arith.muli %arg1, %mul3A_1 : i32
    %add3A_3 = arith.constant 0 : i32
    %add3A_4 = arith.addi %mul3A_2, %add3A_3 : i32
    "tpu.region"() ({
      %run_scoped3A = tpu.sem_alloc : memref<!tpu.dma_semaphore, #tpu.memory_space<semaphore_mem>>
      %dma_start3A = tpu.memref_slice %arg7[%add3A_4] : memref<10240xf32, #tpu.memory_space<vmem_shared>> -> memref<128xf32, #tpu.memory_space<vmem_shared>>
      %dma_start3A_32 = arith.constant 0 : i32
      %dma_start3A_33 = tpu.memref_slice %arg3[%dma_start3A_32] : memref<640xf32, #tpu.memory_space<hbm>> -> memref<128xf32, #tpu.memory_space<hbm>>
      tpu.enqueue_dma source(%dma_start3A_33 : memref<128xf32, #tpu.memory_space<hbm>>) target(%dma_start3A : memref<128xf32, #tpu.memory_space<vmem_shared>>) target_semaphore(%run_scoped3A : memref<!tpu.dma_semaphore, #tpu.memory_space<semaphore_mem>>)
      %dma_wait3A = tpu.memref_slice %arg7[%add3A_4] : memref<10240xf32, #tpu.memory_space<vmem_shared>> -> memref<128xf32, #tpu.memory_space<vmem_shared>>
      %dma_wait3A_34 = arith.constant 0 : i32
      %dma_wait3A_35 = tpu.memref_slice %arg3[%dma_wait3A_34] : memref<640xf32, #tpu.memory_space<hbm>> -> memref<128xf32, #tpu.memory_space<hbm>>
      tpu.wait_dma2 semaphore(%run_scoped3A : memref<!tpu.dma_semaphore, #tpu.memory_space<semaphore_mem>>) src(%dma_wait3A_35 : memref<128xf32, #tpu.memory_space<hbm>>) dst(%dma_wait3A : memref<128xf32, #tpu.memory_space<vmem_shared>>)
      tpu.yield
    }) : () -> ()
    %mul3A_5 = arith.constant 640 : i32
    %mul3A_6 = arith.muli %arg1, %mul3A_5 : i32
    %add3A_7 = arith.constant 128 : i32
    %add3A_8 = arith.addi %mul3A_6, %add3A_7 : i32
    "tpu.region"() ({
      %run_scoped3A = tpu.sem_alloc : memref<!tpu.dma_semaphore, #tpu.memory_space<semaphore_mem>>
      %dma_start3A = tpu.memref_slice %arg7[%add3A_8] : memref<10240xf32, #tpu.memory_space<vmem_shared>> -> memref<128xf32, #tpu.memory_space<vmem_shared>>
      %dma_start3A_32 = arith.constant 128 : i32
      %dma_start3A_33 = tpu.memref_slice %arg3[%dma_start3A_32] : memref<640xf32, #tpu.memory_space<hbm>> -> memref<128xf32, #tpu.memory_space<hbm>>
      tpu.enqueue_dma source(%dma_start3A_33 : memref<128xf32, #tpu.memory_space<hbm>>) target(%dma_start3A : memref<128xf32, #tpu.memory_space<vmem_shared>>) target_semaphore(%run_scoped3A : memref<!tpu.dma_semaphore, #tpu.memory_space<semaphore_mem>>)
      %dma_wait3A = tpu.memref_slice %arg7[%add3A_8] : memref<10240xf32, #tpu.memory_space<vmem_shared>> -> memref<128xf32, #tpu.memory_space<vmem_shared>>
      %dma_wait3A_34 = arith.constant 128 : i32
      %dma_wait3A_35 = tpu.memref_slice %arg3[%dma_wait3A_34] : memref<640xf32, #tpu.memory_space<hbm>> -> memref<128xf32, #tpu.memory_space<hbm>>
      tpu.wait_dma2 semaphore(%run_scoped3A : memref<!tpu.dma_semaphore, #tpu.memory_space<semaphore_mem>>) src(%dma_wait3A_35 : memref<128xf32, #tpu.memory_space<hbm>>) dst(%dma_wait3A : memref<128xf32, #tpu.memory_space<vmem_shared>>)
      tpu.yield
    }) : () -> ()
    %mul3A_9 = arith.constant 640 : i32
    %mul3A_10 = arith.muli %arg1, %mul3A_9 : i32
    %add3A_11 = arith.constant 256 : i32
    %add3A_12 = arith.addi %mul3A_10, %add3A_11 : i32
    "tpu.region"() ({
      %run_scoped3A = tpu.sem_alloc : memref<!tpu.dma_semaphore, #tpu.memory_space<semaphore_mem>>
      %dma_start3A = tpu.memref_slice %arg7[%add3A_12] : memref<10240xf32, #tpu.memory_space<vmem_shared>> -> memref<128xf32, #tpu.memory_space<vmem_shared>>
      %dma_start3A_32 = arith.constant 256 : i32
      %dma_start3A_33 = tpu.memref_slice %arg3[%dma_start3A_32] : memref<640xf32, #tpu.memory_space<hbm>> -> memref<128xf32, #tpu.memory_space<hbm>>
      tpu.enqueue_dma source(%dma_start3A_33 : memref<128xf32, #tpu.memory_space<hbm>>) target(%dma_start3A : memref<128xf32, #tpu.memory_space<vmem_shared>>) target_semaphore(%run_scoped3A : memref<!tpu.dma_semaphore, #tpu.memory_space<semaphore_mem>>)
      %dma_wait3A = tpu.memref_slice %arg7[%add3A_12] : memref<10240xf32, #tpu.memory_space<vmem_shared>> -> memref<128xf32, #tpu.memory_space<vmem_shared>>
      %dma_wait3A_34 = arith.constant 256 : i32
      %dma_wait3A_35 = tpu.memref_slice %arg3[%dma_wait3A_34] : memref<640xf32, #tpu.memory_space<hbm>> -> memref<128xf32, #tpu.memory_space<hbm>>
      tpu.wait_dma2 semaphore(%run_scoped3A : memref<!tpu.dma_semaphore, #tpu.memory_space<semaphore_mem>>) src(%dma_wait3A_35 : memref<128xf32, #tpu.memory_space<hbm>>) dst(%dma_wait3A : memref<128xf32, #tpu.memory_space<vmem_shared>>)
      tpu.yield
    }) : () -> ()
    %mul3A_13 = arith.constant 640 : i32
    %mul3A_14 = arith.muli %arg1, %mul3A_13 : i32
    %add3A_15 = arith.constant 384 : i32
    %add3A_16 = arith.addi %mul3A_14, %add3A_15 : i32
    "tpu.region"() ({
      %run_scoped3A = tpu.sem_alloc : memref<!tpu.dma_semaphore, #tpu.memory_space<semaphore_mem>>
      %dma_start3A = tpu.memref_slice %arg7[%add3A_16] : memref<10240xf32, #tpu.memory_space<vmem_shared>> -> memref<128xf32, #tpu.memory_space<vmem_shared>>
      %dma_start3A_32 = arith.constant 384 : i32
      %dma_start3A_33 = tpu.memref_slice %arg3[%dma_start3A_32] : memref<640xf32, #tpu.memory_space<hbm>> -> memref<128xf32, #tpu.memory_space<hbm>>
      tpu.enqueue_dma source(%dma_start3A_33 : memref<128xf32, #tpu.memory_space<hbm>>) target(%dma_start3A : memref<128xf32, #tpu.memory_space<vmem_shared>>) target_semaphore(%run_scoped3A : memref<!tpu.dma_semaphore, #tpu.memory_space<semaphore_mem>>)
      %dma_wait3A = tpu.memref_slice %arg7[%add3A_16] : memref<10240xf32, #tpu.memory_space<vmem_shared>> -> memref<128xf32, #tpu.memory_space<vmem_shared>>
      %dma_wait3A_34 = arith.constant 384 : i32
      %dma_wait3A_35 = tpu.memref_slice %arg3[%dma_wait3A_34] : memref<640xf32, #tpu.memory_space<hbm>> -> memref<128xf32, #tpu.memory_space<hbm>>
      tpu.wait_dma2 semaphore(%run_scoped3A : memref<!tpu.dma_semaphore, #tpu.memory_space<semaphore_mem>>) src(%dma_wait3A_35 : memref<128xf32, #tpu.memory_space<hbm>>) dst(%dma_wait3A : memref<128xf32, #tpu.memory_space<vmem_shared>>)
      tpu.yield
    }) : () -> ()
    %mul3A_17 = arith.constant 640 : i32
    %mul3A_18 = arith.muli %arg1, %mul3A_17 : i32
    %add3A_19 = arith.constant 512 : i32
    %add3A_20 = arith.addi %mul3A_18, %add3A_19 : i32
    "tpu.region"() ({
      %run_scoped3A = tpu.sem_alloc : memref<!tpu.dma_semaphore, #tpu.memory_space<semaphore_mem>>
      %dma_start3A = tpu.memref_slice %arg7[%add3A_20] : memref<10240xf32, #tpu.memory_space<vmem_shared>> -> memref<128xf32, #tpu.memory_space<vmem_shared>>
      %dma_start3A_32 = arith.constant 512 : i32
      %dma_start3A_33 = tpu.memref_slice %arg3[%dma_start3A_32] : memref<640xf32, #tpu.memory_space<hbm>> -> memref<128xf32, #tpu.memory_space<hbm>>
      tpu.enqueue_dma source(%dma_start3A_33 : memref<128xf32, #tpu.memory_space<hbm>>) target(%dma_start3A : memref<128xf32, #tpu.memory_space<vmem_shared>>) target_semaphore(%run_scoped3A : memref<!tpu.dma_semaphore, #tpu.memory_space<semaphore_mem>>)
      %dma_wait3A = tpu.memref_slice %arg7[%add3A_20] : memref<10240xf32, #tpu.memory_space<vmem_shared>> -> memref<128xf32, #tpu.memory_space<vmem_shared>>
      %dma_wait3A_34 = arith.constant 512 : i32
      %dma_wait3A_35 = tpu.memref_slice %arg3[%dma_wait3A_34] : memref<640xf32, #tpu.memory_space<hbm>> -> memref<128xf32, #tpu.memory_space<hbm>>
      tpu.wait_dma2 semaphore(%run_scoped3A : memref<!tpu.dma_semaphore, #tpu.memory_space<semaphore_mem>>) src(%dma_wait3A_35 : memref<128xf32, #tpu.memory_space<hbm>>) dst(%dma_wait3A : memref<128xf32, #tpu.memory_space<vmem_shared>>)
      tpu.yield
    }) : () -> ()
    "tpu.region"() ({
      %run_scoped3A = tpu.sem_alloc : memref<!tpu.dma_semaphore, #tpu.memory_space<semaphore_mem>>
      %dma_start3A = arith.constant 0 : i32
      %dma_start3A_32 = arith.constant 0 : i32
      %dma_start3A_33 = tpu.memref_slice %arg2[%add3A, %dma_start3A, %dma_start3A_32] : memref<32x40x128xi32, #tpu.memory_space<hbm>> -> memref<1x40x128xi32, #tpu.memory_space<hbm>>
      %dma_start3A_34 = tpu.memref_squeeze %dma_start3A_33 : memref<1x40x128xi32, #tpu.memory_space<hbm>> -> memref<40x128xi32, #tpu.memory_space<hbm>>
      %dma_start3A_35 = arith.constant 0 : i32
      %dma_start3A_36 = arith.constant 0 : i32
      %dma_start3A_37 = tpu.memref_slice %arg2[%add3A, %dma_start3A_35, %dma_start3A_36] : memref<32x40x128xi32, #tpu.memory_space<hbm>> -> memref<1x40x128xi32, #tpu.memory_space<hbm>>
      %dma_start3A_38 = tpu.memref_squeeze %dma_start3A_37 : memref<1x40x128xi32, #tpu.memory_space<hbm>> -> memref<40x128xi32, #tpu.memory_space<hbm>>
      tpu.enqueue_dma source(%dma_start3A_38 : memref<40x128xi32, #tpu.memory_space<hbm>>) target(%arg5 : memref<40x128xi32, #tpu.memory_space<vmem>>) target_semaphore(%run_scoped3A : memref<!tpu.dma_semaphore, #tpu.memory_space<semaphore_mem>>)
      %dma_wait3A = arith.constant 0 : i32
      %dma_wait3A_39 = arith.constant 0 : i32
      %dma_wait3A_40 = tpu.memref_slice %arg2[%add3A, %dma_wait3A, %dma_wait3A_39] : memref<32x40x128xi32, #tpu.memory_space<hbm>> -> memref<1x40x128xi32, #tpu.memory_space<hbm>>
      %dma_wait3A_41 = tpu.memref_squeeze %dma_wait3A_40 : memref<1x40x128xi32, #tpu.memory_space<hbm>> -> memref<40x128xi32, #tpu.memory_space<hbm>>
      %dma_wait3A_42 = arith.constant 0 : i32
      %dma_wait3A_43 = arith.constant 0 : i32
      %dma_wait3A_44 = tpu.memref_slice %arg2[%add3A, %dma_wait3A_42, %dma_wait3A_43] : memref<32x40x128xi32, #tpu.memory_space<hbm>> -> memref<1x40x128xi32, #tpu.memory_space<hbm>>
      %dma_wait3A_45 = tpu.memref_squeeze %dma_wait3A_44 : memref<1x40x128xi32, #tpu.memory_space<hbm>> -> memref<40x128xi32, #tpu.memory_space<hbm>>
      tpu.wait_dma2 semaphore(%run_scoped3A : memref<!tpu.dma_semaphore, #tpu.memory_space<semaphore_mem>>) src(%dma_wait3A_45 : memref<40x128xi32, #tpu.memory_space<hbm>>) dst(%arg5 : memref<40x128xi32, #tpu.memory_space<vmem>>)
      tpu.yield
    }) : () -> ()
    %barrier3A = arith.constant 0 : index
    tpu.barrier barrier_id(%barrier3A)
    %scan3A = arith.constant 0 : i32
    %scan3A_21 = arith.constant 0 : i32
    %scan3A_22 = arith.constant 40 : i32
    %scan3A_23 = arith.addi %scan3A_21, %scan3A_22 : i32
    %scan3A_24 = arith.constant 1 : i32
    %scan3A_25 = scf.for %scan3A_32 = %scan3A_21 to %scan3A_23 step %scan3A_24 iter_args(%scan3A_33 = %scan3A) -> (i32)  : i32 {
      "tpu.region"() ({
        %run_scoped3A = tpu.sem_alloc : memref<!tpu.dma_semaphore, #tpu.memory_space<semaphore_mem>>
        %dma_start3A = arith.constant 0 : i32
        %dma_start3A_35 = tpu.memref_slice %arg5[%scan3A_32, %dma_start3A] : memref<40x128xi32, #tpu.memory_space<vmem>> -> memref<1x128xi32, #tpu.memory_space<vmem>>
        %dma_start3A_36 = tpu.memref_squeeze %dma_start3A_35 : memref<1x128xi32, #tpu.memory_space<vmem>> -> memref<128xi32, #tpu.memory_space<vmem>>
        %dma_start3A_37 = arith.constant 0 : i32
        %dma_start3A_38 = tpu.memref_slice %arg7[%dma_start3A_37] : memref<10240xf32, #tpu.memory_space<vmem_shared>> -> memref<10240xf32, #tpu.memory_space<vmem_shared>>
        tpu.enqueue_indirect_dma source(%arg6 : memref<128xf32, #tpu.memory_space<vmem>>) target(%dma_start3A_38 : memref<10240xf32, #tpu.memory_space<vmem_shared>>) offsets(%dma_start3A_36 : memref<128xi32, #tpu.memory_space<vmem>>) semaphore(%run_scoped3A : memref<!tpu.dma_semaphore, #tpu.memory_space<semaphore_mem>>) {add = true}
        %dma_wait3A = arith.constant 0 : i32
        %dma_wait3A_39 = tpu.memref_slice %arg5[%scan3A_32, %dma_wait3A] : memref<40x128xi32, #tpu.memory_space<vmem>> -> memref<1x128xi32, #tpu.memory_space<vmem>>
        %dma_wait3A_40 = tpu.memref_squeeze %dma_wait3A_39 : memref<1x128xi32, #tpu.memory_space<vmem>> -> memref<128xi32, #tpu.memory_space<vmem>>
        %dma_wait3A_41 = arith.constant 0 : i32
        %dma_wait3A_42 = tpu.memref_slice %arg7[%dma_wait3A_41] : memref<10240xf32, #tpu.memory_space<vmem_shared>> -> memref<10240xf32, #tpu.memory_space<vmem_shared>>
        tpu.wait_indirect_dma semaphore(%run_scoped3A : memref<!tpu.dma_semaphore, #tpu.memory_space<semaphore_mem>>) src(%arg6 : memref<128xf32, #tpu.memory_space<vmem>>) dst(%dma_wait3A_42 : memref<10240xf32, #tpu.memory_space<vmem_shared>>)
        tpu.yield
      }) : () -> ()
      %scan3A_34 = arith.constant 0 : i32
      scf.yield %scan3A_34 : i32
    }
    %scan3A_26 = arith.constant 40 : i32
    %barrier3A_27 = arith.constant 0 : index
    tpu.barrier barrier_id(%barrier3A_27)
    %mul3A_28 = arith.constant 640 : i32
    %mul3A_29 = arith.muli %arg1, %mul3A_28 : i32
    %mul3A_30 = arith.constant 640 : i32
    %mul3A_31 = arith.muli %arg1, %mul3A_30 : i32
    "tpu.region"() ({
      %run_scoped3A = tpu.sem_alloc : memref<!tpu.dma_semaphore, #tpu.memory_space<semaphore_mem>>
      %dma_start3A = tpu.memref_slice %arg4[%arg0, %mul3A_31] : memref<2x10240xf32, #tpu.memory_space<hbm>> -> memref<1x640xf32, #tpu.memory_space<hbm>>
      %dma_start3A_32 = tpu.memref_squeeze %dma_start3A : memref<1x640xf32, #tpu.memory_space<hbm>> -> memref<640xf32, #tpu.memory_space<hbm>>
      %dma_start3A_33 = tpu.memref_slice %arg7[%mul3A_29] : memref<10240xf32, #tpu.memory_space<vmem_shared>> -> memref<640xf32, #tpu.memory_space<vmem_shared>>
      tpu.enqueue_dma source(%dma_start3A_33 : memref<640xf32, #tpu.memory_space<vmem_shared>>) target(%dma_start3A_32 : memref<640xf32, #tpu.memory_space<hbm>>) target_semaphore(%run_scoped3A : memref<!tpu.dma_semaphore, #tpu.memory_space<semaphore_mem>>)
      %dma_wait3A = tpu.memref_slice %arg4[%arg0, %mul3A_31] : memref<2x10240xf32, #tpu.memory_space<hbm>> -> memref<1x640xf32, #tpu.memory_space<hbm>>
      %dma_wait3A_34 = tpu.memref_squeeze %dma_wait3A : memref<1x640xf32, #tpu.memory_space<hbm>> -> memref<640xf32, #tpu.memory_space<hbm>>
      %dma_wait3A_35 = tpu.memref_slice %arg7[%mul3A_29] : memref<10240xf32, #tpu.memory_space<vmem_shared>> -> memref<640xf32, #tpu.memory_space<vmem_shared>>
      tpu.wait_dma2 semaphore(%run_scoped3A : memref<!tpu.dma_semaphore, #tpu.memory_space<semaphore_mem>>) src(%dma_wait3A_35 : memref<640xf32, #tpu.memory_space<vmem_shared>>) dst(%dma_wait3A_34 : memref<640xf32, #tpu.memory_space<hbm>>)
      tpu.yield
    }) : () -> ()
    return
  }
}

module attributes {stable_mosaic.version = 14 : i64} {
  func.func @body(%arg0: i32, %arg1: memref<2x1024x128xf32, #tpu.memory_space<vmem>>, %arg2: memref<1024x128xf32, #tpu.memory_space<vmem>>, %arg3: memref<1x128xf32, #tpu.memory_space<vmem>>, %arg4: memref<2x1024xf32, #tpu.memory_space<vmem>>, %arg5: memref<1024x128xf32, #tpu.memory_space<vmem>>) attributes {dimension_semantics = [#tpu.dimension_semantics<arbitrary>], iteration_bounds = array<i64: 10>, scalar_prefetch = 0 : i64, scratch_operands = 0 : i64, tpu.core_type = #tpu.core_type<tc>, window_params = [{transform_indices = @transform_0, window_bounds = array<i64: 2, 1024, 128>}, {transform_indices = @transform_1, window_bounds = array<i64: 1024, 128>}, {pipeline_mode = #tpu.pipeline_mode<synchronous>, transform_indices = @transform_2, window_bounds = array<i64: 1, 128>}, {transform_indices = @transform_3, window_bounds = array<i64: 2, 1024>}, {transform_indices = @transform_4, window_bounds = array<i64: 1024, 128>}]} {
    %get3A = arith.constant 0 : index
    %get3A_0 = arith.constant 0 : index
    %get3A_1 = vector.load %arg4[%get3A, %get3A_0] : memref<2x1024xf32, #tpu.memory_space<vmem>>, vector<1x1024xf32>
    %get3A_2 = vector.shape_cast %get3A_1 : vector<1x1024xf32> to vector<1024xf32>
    %get3A_3 = arith.constant 1 : index
    %get3A_4 = arith.constant 0 : index
    %get3A_5 = vector.load %arg4[%get3A_3, %get3A_4] : memref<2x1024xf32, #tpu.memory_space<vmem>>, vector<1x1024xf32>
    %get3A_6 = vector.shape_cast %get3A_5 : vector<1x1024xf32> to vector<1024xf32>
    %add3A = arith.addf %get3A_2, %get3A_6 : vector<1024xf32>
    %sub3A = arith.constant 1.000000e+00 : f32
    %sub3A_7 = vector.broadcast %sub3A : f32 to vector<1024xf32>
    %sub3A_8 = arith.subf %add3A, %sub3A_7 : vector<1024xf32>
    %rsqrt3A = math.rsqrt %sub3A_8 : vector<1024xf32>
    %broadcast_in_dim3A = vector.shape_cast %rsqrt3A : vector<1024xf32> to vector<1024x1xf32>
    %get3A_9 = arith.constant 0 : index
    %get3A_10 = arith.constant 0 : index
    %get3A_11 = arith.constant 0 : index
    %get3A_12 = vector.load %arg1[%get3A_9, %get3A_10, %get3A_11] : memref<2x1024x128xf32, #tpu.memory_space<vmem>>, vector<1x1024x128xf32>
    %get3A_13 = vector.shape_cast %get3A_12 : vector<1x1024x128xf32> to vector<1024x128xf32>
    %get3A_14 = arith.constant 1 : index
    %get3A_15 = arith.constant 0 : index
    %get3A_16 = arith.constant 0 : index
    %get3A_17 = vector.load %arg1[%get3A_14, %get3A_15, %get3A_16] : memref<2x1024x128xf32, #tpu.memory_space<vmem>>, vector<1x1024x128xf32>
    %get3A_18 = vector.shape_cast %get3A_17 : vector<1x1024x128xf32> to vector<1024x128xf32>
    %add3A_19 = arith.addf %get3A_13, %get3A_18 : vector<1024x128xf32>
    %get3A_20 = arith.constant 0 : index
    %get3A_21 = arith.constant 0 : index
    %get3A_22 = vector.load %arg2[%get3A_20, %get3A_21] : memref<1024x128xf32, #tpu.memory_space<vmem>>, vector<1024x128xf32>
    %sub3A_23 = arith.subf %add3A_19, %get3A_22 : vector<1024x128xf32>
    %mul3A = vector.broadcast %broadcast_in_dim3A : vector<1024x1xf32> to vector<1024x128xf32>
    %mul3A_24 = arith.mulf %sub3A_23, %mul3A : vector<1024x128xf32>
    %get3A_25 = arith.constant 0 : index
    %get3A_26 = arith.constant 0 : index
    %get3A_27 = vector.load %arg3[%get3A_25, %get3A_26] : memref<1x128xf32, #tpu.memory_space<vmem>>, vector<1x128xf32>
    %add3A_28 = vector.broadcast %get3A_27 : vector<1x128xf32> to vector<1024x128xf32>
    %add3A_29 = arith.addf %mul3A_24, %add3A_28 : vector<1024x128xf32>
    %max3A = arith.constant 0.000000e+00 : f32
    %max3A_30 = vector.broadcast %max3A : f32 to vector<1024x128xf32>
    %max3A_31 = arith.maximumf %add3A_29, %max3A_30 : vector<1024x128xf32>
    %mul3A_32 = vector.broadcast %broadcast_in_dim3A : vector<1024x1xf32> to vector<1024x128xf32>
    %mul3A_33 = arith.mulf %max3A_31, %mul3A_32 : vector<1024x128xf32>
    %swap3A = arith.constant 0 : index
    %swap3A_34 = arith.constant 0 : index
    %swap3A_35 = vector.load %arg5[%swap3A, %swap3A_34] : memref<1024x128xf32, #tpu.memory_space<vmem>>, vector<1024x128xf32>
    tpu.vector_store %arg5[%swap3A, %swap3A_34], %mul3A_33 {strides = array<i32>} : memref<1024x128xf32, #tpu.memory_space<vmem>>, vector<1024x128xf32>,
    return
  }
  func.func @transform_0(%arg0: i32) -> (i32, i32, i32) {
    %c0_i32 = arith.constant 0 : i32
    %c0_i32_0 = arith.constant 0 : i32
    %c0_i32_1 = arith.constant 0 : i32
    return %c0_i32, %arg0, %c0_i32_0 : i32, i32, i32
  }
  func.func @transform_1(%arg0: i32) -> (i32, i32) {
    %c0_i32 = arith.constant 0 : i32
    %c0_i32_0 = arith.constant 0 : i32
    return %arg0, %c0_i32 : i32, i32
  }
  func.func @transform_2(%arg0: i32) -> (i32, i32) {
    %c0_i32 = arith.constant 0 : i32
    %c0_i32_0 = arith.constant 0 : i32
    %c0_i32_1 = arith.constant 0 : i32
    return %c0_i32, %c0_i32_0 : i32, i32
  }
  func.func @transform_3(%arg0: i32) -> (i32, i32) {
    %c0_i32 = arith.constant 0 : i32
    %c0_i32_0 = arith.constant 0 : i32
    return %c0_i32, %arg0 : i32, i32
  }
  func.func @transform_4(%arg0: i32) -> (i32, i32) {
    %c0_i32 = arith.constant 0 : i32
    %c0_i32_0 = arith.constant 0 : i32
    return %arg0, %c0_i32 : i32, i32
  }
}

module attributes {stable_mosaic.version = 14 : i64} {
  func.func @body(%arg0: i32, %arg1: memref<1024x256xf32, #tpu.memory_space<vmem>>, %arg2: memref<256x128xf32, #tpu.memory_space<vmem>>, %arg3: memref<2x1024xf32, #tpu.memory_space<vmem>>, %arg4: memref<1024x128xf32, #tpu.memory_space<vmem>>) attributes {dimension_semantics = [#tpu.dimension_semantics<arbitrary>], iteration_bounds = array<i64: 10>, scalar_prefetch = 0 : i64, scratch_operands = 0 : i64, tpu.core_type = #tpu.core_type<tc>, window_params = [{transform_indices = @transform_0, window_bounds = array<i64: 1024, 256>}, {pipeline_mode = #tpu.pipeline_mode<synchronous>, transform_indices = @transform_1, window_bounds = array<i64: 256, 128>}, {transform_indices = @transform_2, window_bounds = array<i64: 2, 1024>}, {transform_indices = @transform_3, window_bounds = array<i64: 1024, 128>}]} {
    %get3A = arith.constant 0 : index
    %get3A_0 = arith.constant 0 : index
    %get3A_1 = vector.load %arg3[%get3A, %get3A_0] : memref<2x1024xf32, #tpu.memory_space<vmem>>, vector<1x1024xf32>
    %get3A_2 = vector.shape_cast %get3A_1 : vector<1x1024xf32> to vector<1024xf32>
    %get3A_3 = arith.constant 1 : index
    %get3A_4 = arith.constant 0 : index
    %get3A_5 = vector.load %arg3[%get3A_3, %get3A_4] : memref<2x1024xf32, #tpu.memory_space<vmem>>, vector<1x1024xf32>
    %get3A_6 = vector.shape_cast %get3A_5 : vector<1x1024xf32> to vector<1024xf32>
    %add3A = arith.addf %get3A_2, %get3A_6 : vector<1024xf32>
    %sub3A = arith.constant 1.000000e+00 : f32
    %sub3A_7 = vector.broadcast %sub3A : f32 to vector<1024xf32>
    %sub3A_8 = arith.subf %add3A, %sub3A_7 : vector<1024xf32>
    %rsqrt3A = math.rsqrt %sub3A_8 : vector<1024xf32>
    %get3A_9 = arith.constant 0 : index
    %get3A_10 = arith.constant 0 : index
    %get3A_11 = vector.load %arg1[%get3A_9, %get3A_10] : memref<1024x256xf32, #tpu.memory_space<vmem>>, vector<1024x256xf32>
    %get3A_12 = arith.constant 0 : index
    %get3A_13 = arith.constant 0 : index
    %get3A_14 = vector.load %arg2[%get3A_12, %get3A_13] : memref<256x128xf32, #tpu.memory_space<vmem>>, vector<256x128xf32>
    %dot_general3A = arith.constant dense<0.000000e+00> : vector<1024x128xf32>
    %dot_general3A_15 = tpu.matmul %get3A_11, %get3A_14, %dot_general3A {dimension_numbers = #tpu.dot_dimension_numbers<[1], [0], [0], [1], [0, 0, 1, 1], [], []>, transpose_lhs_hint = false} : vector<1024x256xf32>, vector<256x128xf32>, vector<1024x128xf32> -> vector<1024x128xf32>
    %broadcast_in_dim3A = vector.shape_cast %rsqrt3A : vector<1024xf32> to vector<1024x1xf32>
    %mul3A = vector.broadcast %broadcast_in_dim3A : vector<1024x1xf32> to vector<1024x128xf32>
    %mul3A_16 = arith.mulf %dot_general3A_15, %mul3A : vector<1024x128xf32>
    %swap3A = arith.constant 0 : index
    %swap3A_17 = arith.constant 0 : index
    %swap3A_18 = vector.load %arg4[%swap3A, %swap3A_17] : memref<1024x128xf32, #tpu.memory_space<vmem>>, vector<1024x128xf32>
    tpu.vector_store %arg4[%swap3A, %swap3A_17], %mul3A_16 {strides = array<i32>} : memref<1024x128xf32, #tpu.memory_space<vmem>>, vector<1024x128xf32>,
    return
  }
  func.func @transform_0(%arg0: i32) -> (i32, i32) {
    %c0_i32 = arith.constant 0 : i32
    %c0_i32_0 = arith.constant 0 : i32
    return %arg0, %c0_i32 : i32, i32
  }
  func.func @transform_1(%arg0: i32) -> (i32, i32) {
    %c0_i32 = arith.constant 0 : i32
    %c0_i32_0 = arith.constant 0 : i32
    %c0_i32_1 = arith.constant 0 : i32
    return %c0_i32, %c0_i32_0 : i32, i32
  }
  func.func @transform_2(%arg0: i32) -> (i32, i32) {
    %c0_i32 = arith.constant 0 : i32
    %c0_i32_0 = arith.constant 0 : i32
    return %c0_i32, %arg0 : i32, i32
  }
  func.func @transform_3(%arg0: i32) -> (i32, i32) {
    %c0_i32 = arith.constant 0 : i32
    %c0_i32_0 = arith.constant 0 : i32
    return %arg0, %c0_i32 : i32, i32
  }
}

module attributes {stable_mosaic.version = 14 : i64} {
  func.func @body(%arg0: i32, %arg1: memref<2x1024x128xf32, #tpu.memory_space<vmem>>, %arg2: memref<1024x128xf32, #tpu.memory_space<vmem>>, %arg3: memref<128x256xf32, #tpu.memory_space<vmem>>, %arg4: memref<1x256xf32, #tpu.memory_space<vmem>>, %arg5: memref<2x1024xf32, #tpu.memory_space<vmem>>, %arg6: memref<1024x256xf32, #tpu.memory_space<vmem>>) attributes {dimension_semantics = [#tpu.dimension_semantics<arbitrary>], iteration_bounds = array<i64: 10>, scalar_prefetch = 0 : i64, scratch_operands = 0 : i64, tpu.core_type = #tpu.core_type<tc>, window_params = [{transform_indices = @transform_0, window_bounds = array<i64: 2, 1024, 128>}, {transform_indices = @transform_1, window_bounds = array<i64: 1024, 128>}, {pipeline_mode = #tpu.pipeline_mode<synchronous>, transform_indices = @transform_2, window_bounds = array<i64: 128, 256>}, {pipeline_mode = #tpu.pipeline_mode<synchronous>, transform_indices = @transform_3, window_bounds = array<i64: 1, 256>}, {transform_indices = @transform_4, window_bounds = array<i64: 2, 1024>}, {transform_indices = @transform_5, window_bounds = array<i64: 1024, 256>}]} {
    %get3A = arith.constant 0 : index
    %get3A_0 = arith.constant 0 : index
    %get3A_1 = vector.load %arg5[%get3A, %get3A_0] : memref<2x1024xf32, #tpu.memory_space<vmem>>, vector<1x1024xf32>
    %get3A_2 = vector.shape_cast %get3A_1 : vector<1x1024xf32> to vector<1024xf32>
    %get3A_3 = arith.constant 1 : index
    %get3A_4 = arith.constant 0 : index
    %get3A_5 = vector.load %arg5[%get3A_3, %get3A_4] : memref<2x1024xf32, #tpu.memory_space<vmem>>, vector<1x1024xf32>
    %get3A_6 = vector.shape_cast %get3A_5 : vector<1x1024xf32> to vector<1024xf32>
    %add3A = arith.addf %get3A_2, %get3A_6 : vector<1024xf32>
    %sub3A = arith.constant 1.000000e+00 : f32
    %sub3A_7 = vector.broadcast %sub3A : f32 to vector<1024xf32>
    %sub3A_8 = arith.subf %add3A, %sub3A_7 : vector<1024xf32>
    %rsqrt3A = math.rsqrt %sub3A_8 : vector<1024xf32>
    %broadcast_in_dim3A = vector.shape_cast %rsqrt3A : vector<1024xf32> to vector<1024x1xf32>
    %get3A_9 = arith.constant 0 : index
    %get3A_10 = arith.constant 0 : index
    %get3A_11 = arith.constant 0 : index
    %get3A_12 = vector.load %arg1[%get3A_9, %get3A_10, %get3A_11] : memref<2x1024x128xf32, #tpu.memory_space<vmem>>, vector<1x1024x128xf32>
    %get3A_13 = vector.shape_cast %get3A_12 : vector<1x1024x128xf32> to vector<1024x128xf32>
    %get3A_14 = arith.constant 1 : index
    %get3A_15 = arith.constant 0 : index
    %get3A_16 = arith.constant 0 : index
    %get3A_17 = vector.load %arg1[%get3A_14, %get3A_15, %get3A_16] : memref<2x1024x128xf32, #tpu.memory_space<vmem>>, vector<1x1024x128xf32>
    %get3A_18 = vector.shape_cast %get3A_17 : vector<1x1024x128xf32> to vector<1024x128xf32>
    %add3A_19 = arith.addf %get3A_13, %get3A_18 : vector<1024x128xf32>
    %get3A_20 = arith.constant 0 : index
    %get3A_21 = arith.constant 0 : index
    %get3A_22 = vector.load %arg2[%get3A_20, %get3A_21] : memref<1024x128xf32, #tpu.memory_space<vmem>>, vector<1024x128xf32>
    %sub3A_23 = arith.subf %add3A_19, %get3A_22 : vector<1024x128xf32>
    %mul3A = vector.broadcast %broadcast_in_dim3A : vector<1024x1xf32> to vector<1024x128xf32>
    %mul3A_24 = arith.mulf %sub3A_23, %mul3A : vector<1024x128xf32>
    %get3A_25 = arith.constant 0 : index
    %get3A_26 = arith.constant 0 : index
    %get3A_27 = vector.load %arg3[%get3A_25, %get3A_26] : memref<128x256xf32, #tpu.memory_space<vmem>>, vector<128x256xf32>
    %dot_general3A = arith.constant dense<0.000000e+00> : vector<1024x256xf32>
    %dot_general3A_28 = tpu.matmul %mul3A_24, %get3A_27, %dot_general3A {dimension_numbers = #tpu.dot_dimension_numbers<[1], [0], [0], [1], [0, 0, 1, 1], [], []>, transpose_lhs_hint = false} : vector<1024x128xf32>, vector<128x256xf32>, vector<1024x256xf32> -> vector<1024x256xf32>
    %get3A_29 = arith.constant 0 : index
    %get3A_30 = arith.constant 0 : index
    %get3A_31 = vector.load %arg4[%get3A_29, %get3A_30] : memref<1x256xf32, #tpu.memory_space<vmem>>, vector<1x256xf32>
    %add3A_32 = vector.broadcast %get3A_31 : vector<1x256xf32> to vector<1024x256xf32>
    %add3A_33 = arith.addf %dot_general3A_28, %add3A_32 : vector<1024x256xf32>
    %swap3A = arith.constant 0 : index
    %swap3A_34 = arith.constant 0 : index
    %swap3A_35 = vector.load %arg6[%swap3A, %swap3A_34] : memref<1024x256xf32, #tpu.memory_space<vmem>>, vector<1024x256xf32>
    tpu.vector_store %arg6[%swap3A, %swap3A_34], %add3A_33 {strides = array<i32>} : memref<1024x256xf32, #tpu.memory_space<vmem>>, vector<1024x256xf32>,
    return
  }
  func.func @transform_0(%arg0: i32) -> (i32, i32, i32) {
    %c0_i32 = arith.constant 0 : i32
    %c0_i32_0 = arith.constant 0 : i32
    %c0_i32_1 = arith.constant 0 : i32
    return %c0_i32, %arg0, %c0_i32_0 : i32, i32, i32
  }
  func.func @transform_1(%arg0: i32) -> (i32, i32) {
    %c0_i32 = arith.constant 0 : i32
    %c0_i32_0 = arith.constant 0 : i32
    return %arg0, %c0_i32 : i32, i32
  }
  func.func @transform_2(%arg0: i32) -> (i32, i32) {
    %c0_i32 = arith.constant 0 : i32
    %c0_i32_0 = arith.constant 0 : i32
    %c0_i32_1 = arith.constant 0 : i32
    return %c0_i32, %c0_i32_0 : i32, i32
  }
  func.func @transform_3(%arg0: i32) -> (i32, i32) {
    %c0_i32 = arith.constant 0 : i32
    %c0_i32_0 = arith.constant 0 : i32
    %c0_i32_1 = arith.constant 0 : i32
    return %c0_i32, %c0_i32_0 : i32, i32
  }
  func.func @transform_4(%arg0: i32) -> (i32, i32) {
    %c0_i32 = arith.constant 0 : i32
    %c0_i32_0 = arith.constant 0 : i32
    return %c0_i32, %arg0 : i32, i32
  }
  func.func @transform_5(%arg0: i32) -> (i32, i32) {
    %c0_i32 = arith.constant 0 : i32
    %c0_i32_0 = arith.constant 0 : i32
    return %arg0, %c0_i32 : i32, i32
  }
}

</mosaic_0001>

<sc_bundles>
// kernel: kernel.11.cloned.1.call-start
scs
__scs_entry_jumppad:
0x0: {  	(pc) =	sbr.rel $0x88, $3  }
0x1: {  	(tag) =	ssettag $0x0;
	lr =	simm.s32 $0x1  }
0x2: {  	[smem:$0x3F9B] =	sst lr;
	_ =	strace $0xD0000000  }
0x3: {  	_ = 	snop  }
0x4: {  	_ = 	snop  }
0x5: {  	_ = 	snop  }
0x6: {  	_ = 	snop  }
0x7: {  	_ = 	snop  }
__scs_overlays_trampoline_lowered:
0x8: {  	[smem:$0x3FAA] =	sst s0  }
0x9: {  	[smem:$0x3FAB] =	sst s1  }
0xa: {  	[smem:$0x3FAC] =	sst s2  }
0xb: {  	[smem:$0x3FAD] =	sst s3  }
0xc: {  	[smem:$0x3FAE] =	sst s4  }
0xd: {  	[smem:$0x3FAF] =	sst s5  }
0xe: {  	[smem:$0x3FB0] =	sst s6  }
0xf: {  	[smem:$0x3FB1] =	sst s7  }
0x10: {  	[smem:$0x3FB2] =	sst s8  }
0x11: {  	[smem:$0x3FB3] =	sst s9;
	s0 =	simm.s32 @!p0 $0x0  }
0x12: {  	s1 =	sld [smem:$0x3F99];
	s0 =	simm.s32 @p0 $0x1  }
0x13: {  	[smem:$0x3FB4] =	sst s0;
	s0 =	simm.s32 @!p1 $0x0  }
0x14: {  	s2 =	sld [smem:$0x3F98];
	s0 =	simm.s32 @p1 $0x1  }
0x15: {  	[smem:$0x3FB5] =	sst s0;
	s0 =	simm.s32 @!p2 $0x0  }
0x16: {  	s3 =	sld [smem:$0x3FDB];
	s0 =	simm.s32 @p2 $0x1  }
0x17: {  	s4 =	simm.s32 $0x1BF5;
	[smem:$0x3FB7] =	sst s0  }
0x18: {  	s0 =	sld [smem:$0x3F9A];
	_ =	swait.ge [sflag:s4], $0x0  }
0x19: {  	s7 =	sld [smem:$0x3F9B]  }
0x1a: {  	s8 =	sadd.s32 $0xFFFFE003, lr  }
0x1b: {  	s9 =	sadd.s32 $0xFFFFFEF7, lr;
	s5 =	simm.s32 $0xFFFFFFFF;
	p2 =	slt.u32 s8, $0xFFFFF086  }
0x1c: {  	p1 =	slt.u32 s9, $0xF7A;
	s5 =	simm.s32 @!p2 $0x0  }
0x1d: {  	s5 =	simm.s32 @p1 $0x1;
	p0 =	seq.s32 s7, s2  }
0x1e: {  	s7 =	smul.u32 @!p0 $0xF7A, s2;
	p2 =	seq.s32 @!p0 s5, $0x0  }
0x1f: {  	s9 =	smul.u32 $0xF7A, s1;
	s8 =	simm.s32 @!p0 $0x1BF5;
	p2 =	por !p2, p0  }
0x20: {  	[sflag:s8] =	ssyncset.s32 @!p0 $0xFFFFF086;
	s6 =	sadd.s32 @!p0 s3, s7;
	s7 =	simm.s32 @!p0 $0x108  }
0x21: {  	s3 =	sadd.s32 s3, s9;
	s6 =	sadd.s32 @!p0 $0x88, s6;
	s7 =	simm.s32 @p2 $0x1082  }
0x22: {  	[simem:s7], [sflag:s8] =	dma.local @!p0 [hbm:s6], $0xF7A  }
0x23: {  	s9 =	sor.u32 $0xD0000000, s2;
	s6 =	simm.s32 $0x108;
	_ =	swait.ge @!p0 [sflag:s8], $0x0  }
0x24: {  	s3 =	sadd.s32 $0x88, s3;
	s6 =	simm.s32 @!p1 $0x1082;
	[sflag:s4] =	ssyncset.s32 $0xFFFFF086  }
0x25: {  	[simem:s6], [sflag:s4] =	dma.local [hbm:s3], $0xF7A  }
0x26: {  	[smem:$0x3F9B] =	sst s1;
	(tag) =	ssettag s2;
	_ =	strace s9  }
0x27: {  	s1 =	sld [smem:$0x3FAB]  }
0x28: {  	s2 =	sld [smem:$0x3FAC]  }
0x29: {  	s4 =	sld [smem:$0x3FAE]  }
0x2a: {  	p0 =	seq.s32 s5, $0x0;
	s5 =	sld [smem:$0x3FAF]  }
0x2b: {  	s6 =	sld [smem:$0x3FB0]  }
0x2c: {  	s7 =	sld [smem:$0x3FB1]  }
0x2d: {  	s3 =	simm.s32 $0x108;
	s8 =	sld [smem:$0x3FB2]  }
0x2e: {  	s3 =	simm.s32 @!p0 $0x1082;
	s9 =	sld [smem:$0x3FB3]  }
0x2f: {  	lr =	sadd.s32 s0, s3;
	s0 =	sld [smem:$0x3FAA]  }
0x30: {  	s3 =	sld [smem:$0x3FAD]  }
0x31: {  	[smem:$0x3FB6] =	sst s10  }
0x32: {  	s10 =	sld [smem:$0x3FB4];
	_ =	sdelay $0x3  }
0x33: {  	p0 =	seq.s32 s10, $0x1;
	s10 =	sld [smem:$0x3FB6];
	_ =	sdelay $0x3  }
0x34: {  	[smem:$0x3FB6] =	sst s10  }
0x35: {  	s10 =	sld [smem:$0x3FB5];
	_ =	sdelay $0x3  }
0x36: {  	p1 =	seq.s32 s10, $0x1;
	s10 =	sld [smem:$0x3FB6];
	_ =	sdelay $0x3  }
0x37: {  	[smem:$0x3FB6] =	sst s10  }
0x38: {  	s10 =	sld [smem:$0x3FB7]  }
0x39: {  	_ = 	snop;
	(pc) =	sbr.ind lr, $3  }
0x3a: {  	_ = 	snop  }
0x3b: {  	_ = 	snop  }
0x3c: {  	p2 =	seq.s32 s10, $0x1;
	s10 =	sld [smem:$0x3FB6]  }
0x3d: {  	_ =	shalt  }
0x3e: {  	_ =	shalt  }
0x3f: {  	_ =	shalt  }
0x40: {  	_ =	shalt  }
0x41: {  	_ =	shalt  }
0x42: {  	_ =	shalt  }
0x43: {  	_ =	shalt  }
0x44: {  	_ =	shalt  }
0x45: {  	_ =	shalt  }
0x46: {  	_ =	shalt  }
0x47: {  	_ =	shalt  }
0x48: {  	_ =	shalt  }
0x49: {  	_ =	shalt  }
0x4a: {  	_ =	shalt  }
0x4b: {  	_ =	shalt  }
0x4c: {  	_ =	shalt  }
0x4d: {  	_ =	shalt  }
0x4e: {  	_ =	shalt  }
0x4f: {  	_ =	shalt  }
0x50: {  	_ =	shalt  }
0x51: {  	_ =	shalt  }
0x52: {  	_ =	shalt  }
0x53: {  	_ =	shalt  }
0x54: {  	_ =	shalt  }
0x55: {  	_ =	shalt  }
0x56: {  	_ =	shalt  }
0x57: {  	_ =	shalt  }
0x58: {  	_ =	shalt  }
0x59: {  	_ =	shalt  }
0x5a: {  	_ =	shalt  }
0x5b: {  	_ =	shalt  }
0x5c: {  	_ =	shalt  }
0x5d: {  	_ =	shalt  }
0x5e: {  	_ =	shalt  }
0x5f: {  	_ =	shalt  }
0x60: {  	_ =	shalt  }
0x61: {  	_ =	shalt  }
0x62: {  	_ =	shalt  }
0x63: {  	_ =	shalt  }
0x64: {  	_ =	shalt  }
0x65: {  	_ =	shalt  }
0x66: {  	_ =	shalt  }
0x67: {  	_ =	shalt  }
0x68: {  	_ =	shalt  }
0x69: {  	_ =	shalt  }
0x6a: {  	_ =	shalt  }
0x6b: {  	_ =	shalt  }
0x6c: {  	_ =	shalt  }
0x6d: {  	_ =	shalt  }
0x6e: {  	_ =	shalt  }
0x6f: {  	_ =	shalt  }
0x70: {  	_ =	shalt  }
0x71: {  	_ =	shalt  }
0x72: {  	_ =	shalt  }
0x73: {  	_ =	shalt  }
0x74: {  	_ =	shalt  }
0x75: {  	_ =	shalt  }
0x76: {  	_ =	shalt  }
0x77: {  	_ =	shalt  }
0x78: {  	_ =	shalt  }
0x79: {  	_ =	shalt  }
0x7a: {  	_ =	shalt  }
0x7b: {  	_ =	shalt  }
0x7c: {  	_ =	shalt  }
0x7d: {  	_ =	shalt  }
0x7e: {  	_ =	shalt  }
0x7f: {  	_ =	shalt  }
0x80: {  	_ =	shalt  }
0x81: {  	_ =	shalt  }
0x82: {  	_ =	shalt  }
0x83: {  	_ =	shalt  }
0x84: {  	_ =	shalt  }
0x85: {  	_ =	shalt  }
0x86: {  	_ =	shalt  }
0x87: {  	_ =	shalt  }
.Lfunc_end0:
.L_simem_size_0:
called_computation.1_lowered:
.L_overlay_start_0:
0x88: {  	s2 =	sld [smem:$0x3FD9]  }
0x89: {  	s3 =	sld [smem:$0x3FFE];
	_ =	sdelay $0x1  }
0x8a: {  	s1 =	srdreg.scid  }
0x8b: {  	s0 =	sand.u32 $0x1, s1  }
0x8c: {  	s17 =	sshll.u32 s0, $0xA;
	s2 =	sadd.s32 s3, s2  }
0x8d: {  	s2 =	sadd.s32 s2, s17  }
0x8e: {  	[smem:$0x3FC2] =	sst s2  }
0x8f: {  	_ = 	snop  }
0x90: {  	s2 =	sld [smem:$0x3FD0];
	(tm) =	ssettm $0x1  }
0x91: {  	s18 =	sld [smem:$0x3FFB];
	_ =	sdelay $0x3  }
0x92: {  	_ =	strace s18  }
0x93: {  	s3 =	sld [smem:$0x3FFC];
	_ =	sdelay $0x3  }
0x94: {  	_ =	strace s3  }
0x95: {  	s3 =	sld [smem:$0x3FFD];
	_ =	sdelay $0x3  }
0x96: {  	_ =	strace s3  }
0x97: {  	_ =	strace $0x8FFFFFFF  }
0x98: {  	s19 =	sld [smem:$0x3FDB];
	_ =	sdelay $0x1  }
0x99: {  	s4 =	simm.s32 $_scs_section_size  }
0x9a: {  	s5 =	simm.s32 $_size__tile_overlayer_lowered;
	s6 =	simm.s32 $_tile_overlayer_lowered  }
0x9b: {  	s22 =	simm.s32 $0x1BFF;
	s21 =	sshll.u32 s6, $0x1;
	s3 =	sadd.s32 s4, s19  }
0x9c: {  	s7 =	simm.s32 $0x0;
	s20 =	sshll.u32 s5, $0x1;
	s5 =	sadd.s32 s21, s3  }
0x9d: {  	[timem:s7], [sflag:s22] =	dma.local [hbm:s5], s20  }
0x9e: {  	_ =	swait.ge [sflag:s22], s20  }
0x9f: {  	s4 =	ssub.s32 $0x0, s20;
	[sflag:s22] =	ssyncset.done $0x0  }
0xa0: {  	[sflag:s22] =	ssyncadd.s32 s4;
	_ =	sdelay $0x1  }
0xa1: {  	s23 =	simm.s32 $0x1B8B  }
0xa2: {  	_ =	swait.ge [sflag:s23], $0x1  }
0xa3: {  	[sflag:s23] =	ssyncset.done $0x0  }
0xa4: {  	s25 =	simm.s32 $0x1B8E;
	s24 =	sld [smem:$0x3FFE];
	[sflag:s23] =	ssyncadd.s32 $0xFFFFFFFF  }
0xa5: {  	s26 =	simm.s32 $execute0_lowered;
	[smem:$0x3FD2] =	sst s25  }
0xa6: {  	s5 =	sshll.u32 s26, $0x1;
	_ =	strace $0x80000049;
	[dreg:$0x1] =	wrdreg $0xFFFFFFFF  }
0xa7: {  	s28 =	simm.s32 $_size_execute0_lowered;
	s3 =	sadd.s32 s3, s5;
	[dreg:$0x0] =	wrdreg $0x0  }
0xa8: {  	s5 =	sshll.u32 s28, $0x1;
	[dreg:$0x2] =	wrdreg s3  }
0xa9: {  	[dreg:$0x3] =	wrdreg s5  }
0xaa: {  	[dreg:$0x4] =	wrdreg $0xC0  }
0xab: {  	_ =	task [dreg:s7], $0x5FFFF  }
0xac: {  	[dreg:$0x1] =	wrdreg $0xFFFFFFFF  }
0xad: {  	[dreg:$0x0] =	wrdreg $0x60  }
0xae: {  	[dreg:$0x2] =	wrdreg s2  }
0xaf: {  	[dreg:$0x3] =	wrdreg s24  }
0xb0: {  	[dreg:$0x4] =	wrdreg $0x68000  }
0xb1: {  	[dreg:$0x5] =	wrdreg $0x9  }
0xb2: {  	_ =	task.clear_ibuf [dreg:s7], $0x6FFFF;
	_ =	strace $0x90000049  }
0xb3: {  	s29 =	simm.s32 $0x9;
	_ =	strace $0x8000004B  }
0xb4: {  	_ =	swait.ge [sflag:s29], $0x1  }
0xb5: {  	[sflag:s29] =	ssyncadd.s32 $0xFFFFFFFF  }
0xb6: {  	_ =	strace $0x9000004B  }
0xb7: {  	_ =	sfence  }
0xb8: {  	s30 =	sld [smem:$0x0];
	_ =	sdelay $0x2  }
0xb9: {  	s31 =	sshll.u32 s1, $0xD;
	s1 =	sshrl.u32 s1, $0x2  }
0xba: {  	s3 =	sand.u32 $0x4000, s31;
	s1 =	sadd.s32 s1, s30  }
0xbb: {  	s0 =	sor.u32 s3, s0;
	s1 =	sshll.u32 s1, $0x11  }
0xbc: {  	s0 =	sor.u32 s1, s0  }
0xbd: {  	s0 =	sadd.s32 $0x8F2B, s0  }
0xbe: {  	[sflag:s0] =	ssyncadd.remote.s32 $0x1  }
0xbf: {  	_ =	sfence.sel $0xFFFF  }
0xc0: {  	[dreg:$0x0] =	wrdreg $0xFFFFFFFF;
	(pc) =	sbr.abs _section_cstart, $3  }
0xc1: {  	[dreg:$0x1] =	wrdreg $0xFFFFFFFF  }
0xc2: {  	_ =	task.clear_ibuf [dreg:s7], $0x2FFFF;
	_ =	strace $0x9FFFFFFF  }
0xc3: {  	(tm) =	ssettm $0x7FFFFFFF  }
tec
execute0_lowered:
.L_overlay_start_1:
0x0: {  	(tag) =	ssettag $0x1  }
0x1: {  	s2 =	rddreg [dreg:$0x0]  }
0x2: {  	s5 =	rddreg [dreg:$0x1]  }
0x3: {  	s3 =	rddreg [dreg:$0x2];
	s4 =	srdreg.scid  }
0x4: {  	s1 =	stileid.u32;
	s0 =	rddreg [dreg:$0x3];
	s13 =	simm.s32 $0x1400  }
0x5: {  	s14 =	simm.s32 $0x80;
	s15 =	simm.s32 $0x2800;
	s16 =	simm.s32 $0x1  }
0x6: {  	s17 =	simm.s32 $0x0;
	s6 =	sand.u32 $0x1, s4;
	s7 =	smul.u32 $0x14000, s1  }
0x7: {  	s4 =	simm.s32 $0x0;
	s8 =	sshll.u32 s1, $0x1;
	s10 =	smul.u32 $0x50000, s1  }
0x8: {  	s31 =	sshll.u32 s1, $0x6;
	s9 =	smul.u32 $0x140000, s6;
	[smem:$0x7FF] =	sst s4  }
0x9: {  	s8 =	sor.u32 s6, s8;
	s6 =	ssub.s32 $0x2, s6;
	_ =	strace $0x8000004A  }
0xa: {  	s8 =	smul.u32 $0x280, s8;
	s28 =	sshrl.u32 s6, $0x1;
	s29 =	sshrl.u32 s10, $0x2  }
0xb: {  	s30 =	sshrl.u32 s7, $0x3;
	s9 =	sadd.s32 s7, s9;
	s11 =	ssub.s32 s6, s28  }
0xc: {  	s12 =	sadd.s32 s29, s3;
	s6 =	sor.u32 $0x1C02, s31;
	s9 =	sshrl.u32 s9, $0x3  }
0xd: {  	s8 =	sadd.s32 s8, s5;
	s10 =	smax.u32 s11, $0x1;
	s11 =	sshrl.u32 s12, $0x3  }
0xe: {  	s12 =	simm.s32 $0x2;
	s9 =	sadd.s32 s9, s5;
	s5 =	sadd.s32 s2, s30  }
0xf: {  	s7 =	sadd.s32 $0x6A00, s8;
	s8 =	sadd.s32 $0x1800, s8;
	s9 =	sadd.s32 $0xBA00, s9  }
.LBB2_1:
0x10: {  	[spmem:s11], [sflag:s6] =	dma.local [hbm:s5], $0x2800  }
0x11: {  	_ =	swait.ge [sflag:s12], $0x2800  }
0x12: {  	[sflag:s12] =	ssyncset.done $0x0  }
0x13: {  	[sflag:s12] =	ssyncadd.s32 $0xFFFFD800  }
0x14: {  	[tilespmem:s4], [sflag:$0x2] =	stream.linear.gather [hbm4b:s7+s4], $0x1400, $0x38;
	[tilespmem:$0x1A800] =	vst v63  }
0x15: {  	_ =	swait.ge [sflag:s12], $0x1400  }
0x16: {  	[sflag:s12] =	ssyncset.done $0x0  }
0x17: {  	[sflag:s12] =	ssyncadd.s32 $0xFFFFEC00  }
0x18: {  	[tilespmem:s13], [sflag:$0x2] =	stream.linear.gather [hbm4b:s8+s4], $0x1400, $0x38;
	[tilespmem:$0x1A800] =	vst v63  }
0x19: {  	_ =	swait.ge [sflag:s12], $0x1400  }
0x1a: {  	[sflag:s12] =	ssyncset.done $0x0  }
0x1b: {  	[sflag:s12] =	ssyncadd.s32 $0xFFFFEC00  }
0x1c: {  	s18 =	simm.s32 $0x0;
	[bflag:$0x0] =	sbarrier.arrive $0xFFFF  }
0x1d: {  	[tilespmem:s15], [sflag:$0x1] =	stream.indirect.gather [hbm4b:s2+s14], $0x80, s18, s14, $0xb8;
	[tilespmem:$0x1A800] =	vst v63  }
0x1e: {  	_ =	swait.ge [sflag:s16], $0x4000  }
0x1f: {  	[sflag:s16] =	ssyncset.done $0x0  }
0x20: {  	s31 =	simm.s32 $0x1400;
	[sflag:s16] =	ssyncadd.s32 $0xFFFFC000  }
0x21: {  	[spmem:s3] =	stream.indirect.scatter.add.f32 [tilespmem:s15], [sflag:$0x2], $0x80, s31, s14, $0xb8;
	[tilespmem:$0x1A800] =	vst v63  }
0x22: {  	_ =	swait.ge [sflag:s12], $0x4000  }
0x23: {  	s19 =	simm.s32 $0x400;
	s18 =	simm.s32 $0x200;
	[sflag:s12] =	ssyncset.done $0x0  }
.LBB2_2:
0x24: {  	s20 =	sshra.s32 s18, $0x2  }
0x25: {  	[sflag:s12] =	ssyncadd.s32 $0xFFFFC000;
	s18 =	smov.u32 s19;
	s21 =	sadd.s32 $0x200, s19  }
0x26: {  	[tilespmem:s15], [sflag:$0x1] =	stream.indirect.gather [hbm4b:s2+s14], $0x80, s20, s14, $0xb8;
	[tilespmem:$0x1A800] =	vst v63  }
0x27: {  	p0 =	sne.s32 s19, $0x4E00;
	_ =	swait.ge [sflag:s16], $0x4000  }
.Ltmp0:
0x28: {  	[sflag:s16] =	ssyncset.done $0x0;
	(pc) =	sbr.rel @p0 .LBB2_2-.Ltmp0, $4  }
0x29: {  	s19 =	sadd.s32 $0x1400, s20;
	[sflag:s16] =	ssyncadd.s32 $0xFFFFC000  }
0x2a: {  	[spmem:s3] =	stream.indirect.scatter.add.f32 [tilespmem:s15], [sflag:$0x2], $0x80, s19, s14, $0xb8;
	[tilespmem:$0x1A800] =	vst v63  }
0x2b: {  	_ =	swait.ge [sflag:s12], $0x4000  }
0x2c: {  	s19 =	smov.u32 s21;
	[sflag:s12] =	ssyncset.done $0x0  }
0x2d: {  	s18 =	sshra.s32 s18, $0x2;
	[sflag:s12] =	ssyncadd.s32 $0xFFFFC000  }
0x2e: {  	[tilespmem:s15], [sflag:$0x1] =	stream.indirect.gather [hbm4b:s2+s14], $0x80, s18, s14, $0xb8;
	[tilespmem:$0x1A800] =	vst v63  }
0x2f: {  	_ =	swait.ge [sflag:s16], $0x4000  }
0x30: {  	[sflag:s16] =	ssyncset.done $0x0  }
0x31: {  	s18 =	sadd.s32 $0x1400, s18;
	[sflag:s16] =	ssyncadd.s32 $0xFFFFC000  }
0x32: {  	[spmem:s3] =	stream.indirect.scatter.add.f32 [tilespmem:s15], [sflag:$0x2], $0x80, s18, s14, $0xb8;
	[tilespmem:$0x1A800] =	vst v63  }
0x33: {  	_ =	swait.ge [sflag:s12], $0x4000  }
0x34: {  	s17 =	sadd.s32 $0x1, s17;
	[sflag:s12] =	ssyncset.done $0x0  }
0x35: {  	p0 =	sne.s32 s17, s10;
	[sflag:s12] =	ssyncadd.s32 $0xFFFFC000  }
.Ltmp1:
0x36: {  	[bflag:$0x0] =	sbarrier.arrive $0xFFFF;
	(pc) =	sbr.rel @p0 .LBB2_1-.Ltmp1, $4  }
0x37: {  	[hbm:s9], [sflag:s6] =	dma.local [spmem:s11], $0x2800  }
0x38: {  	_ =	swait.ge [sflag:s12], $0x2800  }
0x39: {  	[sflag:s12] =	ssyncset.done $0x0  }
0x3a: {  	[sflag:s12] =	ssyncadd.s32 $0xFFFFD800  }
0x3b: {  	_ =	sfence.sel $0x180000  }
0x3c: {  	[bflag:$0x0] =	sbarrier.arrive $0xFFFF  }
0x3d: {  	p0 =	sne.s32 s1, $0x0;
	_ =	strace $0x9000004A  }
0x3e: {  	s0 =	sadd.s32 @!p0 $0x100000, s0;
	[bflag:$0x2] =	sbarrier.arrive $0xFFFF  }
0x3f: {  	[sflag:s0] =	ssyncadd.tile.s32 @!p0 $0x1;
	_ =	shalt  }
.Lfunc_end2:
_tile_overlayer_lowered:
.L_overlay_start_2:
0x40: {  	(tag) =	ssettag $0x2  }
0x41: {  	s0 =	rddreg [dreg:$0x0];
	s2 =	stileid.u32  }
0x42: {  	s1 =	rddreg [dreg:$0x1];
	p0 =	sne.s32 s2, $0x0  }
0x43: {  	s3 =	rddreg [dreg:$0x2];
	[bflag:$0x3] =	sbarrier.arrive $0xFFFF;
	s2 =	simm.s32 @!p0 $0x1C02  }
0x44: {  	[timem:s3], [sflag:s2] =	dma.local @!p0 [hbm:s0], s1  }
0x45: {  	s0 =	simm.s32 @!p0 $0x2  }
0x46: {  	_ =	swait.ge @!p0 [sflag:s0], s1  }
0x47: {  	s1 =	ssub.s32 @!p0 $0x0, s1;
	[sflag:s0] =	ssyncset.done @!p0 $0x0  }
0x48: {  	[sflag:s0] =	ssyncadd.s32 @!p0 s1  }
0x49: {  	[bflag:$0x3] =	sbarrier.arrive $0xFFFF  }
0x4a: {  	_ =	shalt  }

// kernel: kernel.14.cloned.1.call-start
scs
__scs_entry_jumppad:
0x0: {  	(pc) =	sbr.rel $0x88, $3  }
0x1: {  	(tag) =	ssettag $0x0;
	lr =	simm.s32 $0x1  }
0x2: {  	[smem:$0x3F9B] =	sst lr;
	_ =	strace $0xD0000000  }
0x3: {  	_ = 	snop  }
0x4: {  	_ = 	snop  }
0x5: {  	_ = 	snop  }
0x6: {  	_ = 	snop  }
0x7: {  	_ = 	snop  }
__scs_overlays_trampoline_lowered:
0x8: {  	[smem:$0x3FAA] =	sst s0  }
0x9: {  	[smem:$0x3FAB] =	sst s1  }
0xa: {  	[smem:$0x3FAC] =	sst s2  }
0xb: {  	[smem:$0x3FAD] =	sst s3  }
0xc: {  	[smem:$0x3FAE] =	sst s4  }
0xd: {  	[smem:$0x3FAF] =	sst s5  }
0xe: {  	[smem:$0x3FB0] =	sst s6  }
0xf: {  	[smem:$0x3FB1] =	sst s7  }
0x10: {  	[smem:$0x3FB2] =	sst s8  }
0x11: {  	[smem:$0x3FB3] =	sst s9;
	s0 =	simm.s32 @!p0 $0x0  }
0x12: {  	s1 =	sld [smem:$0x3F99];
	s0 =	simm.s32 @p0 $0x1  }
0x13: {  	[smem:$0x3FB4] =	sst s0;
	s0 =	simm.s32 @!p1 $0x0  }
0x14: {  	s2 =	sld [smem:$0x3F98];
	s0 =	simm.s32 @p1 $0x1  }
0x15: {  	[smem:$0x3FB5] =	sst s0;
	s0 =	simm.s32 @!p2 $0x0  }
0x16: {  	s3 =	sld [smem:$0x3FDB];
	s0 =	simm.s32 @p2 $0x1  }
0x17: {  	s4 =	simm.s32 $0x1BF5;
	[smem:$0x3FB7] =	sst s0  }
0x18: {  	s0 =	sld [smem:$0x3F9A];
	_ =	swait.ge [sflag:s4], $0x0  }
0x19: {  	s7 =	sld [smem:$0x3F9B]  }
0x1a: {  	s8 =	sadd.s32 $0xFFFFE003, lr  }
0x1b: {  	s9 =	sadd.s32 $0xFFFFFEF7, lr;
	s5 =	simm.s32 $0xFFFFFFFF;
	p2 =	slt.u32 s8, $0xFFFFF086  }
0x1c: {  	p1 =	slt.u32 s9, $0xF7A;
	s5 =	simm.s32 @!p2 $0x0  }
0x1d: {  	s5 =	simm.s32 @p1 $0x1;
	p0 =	seq.s32 s7, s2  }
0x1e: {  	s7 =	smul.u32 @!p0 $0xF7A, s2;
	p2 =	seq.s32 @!p0 s5, $0x0  }
0x1f: {  	s9 =	smul.u32 $0xF7A, s1;
	s8 =	simm.s32 @!p0 $0x1BF5;
	p2 =	por !p2, p0  }
0x20: {  	[sflag:s8] =	ssyncset.s32 @!p0 $0xFFFFF086;
	s6 =	sadd.s32 @!p0 s3, s7;
	s7 =	simm.s32 @!p0 $0x108  }
0x21: {  	s3 =	sadd.s32 s3, s9;
	s6 =	sadd.s32 @!p0 $0x88, s6;
	s7 =	simm.s32 @p2 $0x1082  }
0x22: {  	[simem:s7], [sflag:s8] =	dma.local @!p0 [hbm:s6], $0xF7A  }
0x23: {  	s9 =	sor.u32 $0xD0000000, s2;
	s6 =	simm.s32 $0x108;
	_ =	swait.ge @!p0 [sflag:s8], $0x0  }
0x24: {  	s3 =	sadd.s32 $0x88, s3;
	s6 =	simm.s32 @!p1 $0x1082;
	[sflag:s4] =	ssyncset.s32 $0xFFFFF086  }
0x25: {  	[simem:s6], [sflag:s4] =	dma.local [hbm:s3], $0xF7A  }
0x26: {  	[smem:$0x3F9B] =	sst s1;
	(tag) =	ssettag s2;
	_ =	strace s9  }
0x27: {  	s1 =	sld [smem:$0x3FAB]  }
0x28: {  	s2 =	sld [smem:$0x3FAC]  }
0x29: {  	s4 =	sld [smem:$0x3FAE]  }
0x2a: {  	p0 =	seq.s32 s5, $0x0;
	s5 =	sld [smem:$0x3FAF]  }
0x2b: {  	s6 =	sld [smem:$0x3FB0]  }
0x2c: {  	s7 =	sld [smem:$0x3FB1]  }
0x2d: {  	s3 =	simm.s32 $0x108;
	s8 =	sld [smem:$0x3FB2]  }
0x2e: {  	s3 =	simm.s32 @!p0 $0x1082;
	s9 =	sld [smem:$0x3FB3]  }
0x2f: {  	lr =	sadd.s32 s0, s3;
	s0 =	sld [smem:$0x3FAA]  }
0x30: {  	s3 =	sld [smem:$0x3FAD]  }
0x31: {  	[smem:$0x3FB6] =	sst s10  }
0x32: {  	s10 =	sld [smem:$0x3FB4];
	_ =	sdelay $0x3  }
0x33: {  	p0 =	seq.s32 s10, $0x1;
	s10 =	sld [smem:$0x3FB6];
	_ =	sdelay $0x3  }
0x34: {  	[smem:$0x3FB6] =	sst s10  }
0x35: {  	s10 =	sld [smem:$0x3FB5];
	_ =	sdelay $0x3  }
0x36: {  	p1 =	seq.s32 s10, $0x1;
	s10 =	sld [smem:$0x3FB6];
	_ =	sdelay $0x3  }
0x37: {  	[smem:$0x3FB6] =	sst s10  }
0x38: {  	s10 =	sld [smem:$0x3FB7]  }
0x39: {  	_ = 	snop;
	(pc) =	sbr.ind lr, $3  }
0x3a: {  	_ = 	snop  }
0x3b: {  	_ = 	snop  }
0x3c: {  	p2 =	seq.s32 s10, $0x1;
	s10 =	sld [smem:$0x3FB6]  }
0x3d: {  	_ =	shalt  }
0x3e: {  	_ =	shalt  }
0x3f: {  	_ =	shalt  }
0x40: {  	_ =	shalt  }
0x41: {  	_ =	shalt  }
0x42: {  	_ =	shalt  }
0x43: {  	_ =	shalt  }
0x44: {  	_ =	shalt  }
0x45: {  	_ =	shalt  }
0x46: {  	_ =	shalt  }
0x47: {  	_ =	shalt  }
0x48: {  	_ =	shalt  }
0x49: {  	_ =	shalt  }
0x4a: {  	_ =	shalt  }
0x4b: {  	_ =	shalt  }
0x4c: {  	_ =	shalt  }
0x4d: {  	_ =	shalt  }
0x4e: {  	_ =	shalt  }
0x4f: {  	_ =	shalt  }
0x50: {  	_ =	shalt  }
0x51: {  	_ =	shalt  }
0x52: {  	_ =	shalt  }
0x53: {  	_ =	shalt  }
0x54: {  	_ =	shalt  }
0x55: {  	_ =	shalt  }
0x56: {  	_ =	shalt  }
0x57: {  	_ =	shalt  }
0x58: {  	_ =	shalt  }
0x59: {  	_ =	shalt  }
0x5a: {  	_ =	shalt  }
0x5b: {  	_ =	shalt  }
0x5c: {  	_ =	shalt  }
0x5d: {  	_ =	shalt  }
0x5e: {  	_ =	shalt  }
0x5f: {  	_ =	shalt  }
0x60: {  	_ =	shalt  }
0x61: {  	_ =	shalt  }
0x62: {  	_ =	shalt  }
0x63: {  	_ =	shalt  }
0x64: {  	_ =	shalt  }
0x65: {  	_ =	shalt  }
0x66: {  	_ =	shalt  }
0x67: {  	_ =	shalt  }
0x68: {  	_ =	shalt  }
0x69: {  	_ =	shalt  }
0x6a: {  	_ =	shalt  }
0x6b: {  	_ =	shalt  }
0x6c: {  	_ =	shalt  }
0x6d: {  	_ =	shalt  }
0x6e: {  	_ =	shalt  }
0x6f: {  	_ =	shalt  }
0x70: {  	_ =	shalt  }
0x71: {  	_ =	shalt  }
0x72: {  	_ =	shalt  }
0x73: {  	_ =	shalt  }
0x74: {  	_ =	shalt  }
0x75: {  	_ =	shalt  }
0x76: {  	_ =	shalt  }
0x77: {  	_ =	shalt  }
0x78: {  	_ =	shalt  }
0x79: {  	_ =	shalt  }
0x7a: {  	_ =	shalt  }
0x7b: {  	_ =	shalt  }
0x7c: {  	_ =	shalt  }
0x7d: {  	_ =	shalt  }
0x7e: {  	_ =	shalt  }
0x7f: {  	_ =	shalt  }
0x80: {  	_ =	shalt  }
0x81: {  	_ =	shalt  }
0x82: {  	_ =	shalt  }
0x83: {  	_ =	shalt  }
0x84: {  	_ =	shalt  }
0x85: {  	_ =	shalt  }
0x86: {  	_ =	shalt  }
0x87: {  	_ =	shalt  }
.Lfunc_end0:
.L_simem_size_0:
called_computation.2_lowered:
.L_overlay_start_0:
0x88: {  	s2 =	sld [smem:$0x3FD9]  }
0x89: {  	s3 =	sld [smem:$0x3FFE];
	_ =	sdelay $0x1  }
0x8a: {  	s1 =	srdreg.scid  }
0x8b: {  	s0 =	sand.u32 $0x1, s1  }
0x8c: {  	s17 =	sshll.u32 s0, $0xA;
	s2 =	sadd.s32 s3, s2  }
0x8d: {  	s2 =	sadd.s32 s2, s17  }
0x8e: {  	[smem:$0x3FC2] =	sst s2  }
0x8f: {  	_ = 	snop  }
0x90: {  	s2 =	sld [smem:$0x3FD0];
	(tm) =	ssettm $0x1  }
0x91: {  	s18 =	sld [smem:$0x3FFB];
	_ =	sdelay $0x3  }
0x92: {  	_ =	strace s18  }
0x93: {  	s3 =	sld [smem:$0x3FFC];
	_ =	sdelay $0x3  }
0x94: {  	_ =	strace s3  }
0x95: {  	s3 =	sld [smem:$0x3FFD];
	_ =	sdelay $0x3  }
0x96: {  	_ =	strace s3  }
0x97: {  	_ =	strace $0x8FFFFFFF  }
0x98: {  	s19 =	sld [smem:$0x3FDB];
	_ =	sdelay $0x1  }
0x99: {  	s4 =	simm.s32 $_scs_section_size  }
0x9a: {  	s5 =	simm.s32 $_size__tile_overlayer_lowered;
	s6 =	simm.s32 $_tile_overlayer_lowered  }
0x9b: {  	s22 =	simm.s32 $0x1BFF;
	s21 =	sshll.u32 s6, $0x1;
	s3 =	sadd.s32 s4, s19  }
0x9c: {  	s7 =	simm.s32 $0x0;
	s20 =	sshll.u32 s5, $0x1;
	s5 =	sadd.s32 s21, s3  }
0x9d: {  	[timem:s7], [sflag:s22] =	dma.local [hbm:s5], s20  }
0x9e: {  	_ =	swait.ge [sflag:s22], s20  }
0x9f: {  	s4 =	ssub.s32 $0x0, s20;
	[sflag:s22] =	ssyncset.done $0x0  }
0xa0: {  	[sflag:s22] =	ssyncadd.s32 s4;
	_ =	sdelay $0x1  }
0xa1: {  	s23 =	simm.s32 $0x1B8B  }
0xa2: {  	_ =	swait.ge [sflag:s23], $0x1  }
0xa3: {  	[sflag:s23] =	ssyncset.done $0x0  }
0xa4: {  	s25 =	simm.s32 $0x1B8E;
	s24 =	sld [smem:$0x3FFE];
	[sflag:s23] =	ssyncadd.s32 $0xFFFFFFFF  }
0xa5: {  	s26 =	simm.s32 $execute0_lowered;
	[smem:$0x3FD2] =	sst s25  }
0xa6: {  	s5 =	sshll.u32 s26, $0x1;
	_ =	strace $0x8000004C;
	[dreg:$0x1] =	wrdreg $0xFFFFFFFF  }
0xa7: {  	s28 =	simm.s32 $_size_execute0_lowered;
	s3 =	sadd.s32 s3, s5;
	[dreg:$0x0] =	wrdreg $0x0  }
0xa8: {  	s5 =	sshll.u32 s28, $0x1;
	[dreg:$0x2] =	wrdreg s3  }
0xa9: {  	[dreg:$0x3] =	wrdreg s5  }
0xaa: {  	[dreg:$0x4] =	wrdreg $0xC0  }
0xab: {  	_ =	task [dreg:s7], $0x5FFFF  }
0xac: {  	[dreg:$0x1] =	wrdreg $0xFFFFFFFF  }
0xad: {  	[dreg:$0x0] =	wrdreg $0x60  }
0xae: {  	[dreg:$0x2] =	wrdreg s2  }
0xaf: {  	[dreg:$0x3] =	wrdreg s24  }
0xb0: {  	[dreg:$0x4] =	wrdreg $0x68000  }
0xb1: {  	[dreg:$0x5] =	wrdreg $0x9  }
0xb2: {  	_ =	task.clear_ibuf [dreg:s7], $0x6FFFF;
	_ =	strace $0x9000004C  }
0xb3: {  	s29 =	simm.s32 $0x9;
	_ =	strace $0x8000004E  }
0xb4: {  	_ =	swait.ge [sflag:s29], $0x1  }
0xb5: {  	[sflag:s29] =	ssyncadd.s32 $0xFFFFFFFF  }
0xb6: {  	_ =	strace $0x9000004E  }
0xb7: {  	_ =	sfence  }
0xb8: {  	s30 =	sld [smem:$0x0];
	_ =	sdelay $0x2  }
0xb9: {  	s31 =	sshll.u32 s1, $0xD;
	s1 =	sshrl.u32 s1, $0x2  }
0xba: {  	s3 =	sand.u32 $0x4000, s31;
	s1 =	sadd.s32 s1, s30  }
0xbb: {  	s0 =	sor.u32 s3, s0;
	s1 =	sshll.u32 s1, $0x11  }
0xbc: {  	s0 =	sor.u32 s1, s0  }
0xbd: {  	s0 =	sadd.s32 $0x8F2B, s0  }
0xbe: {  	[sflag:s0] =	ssyncadd.remote.s32 $0x1  }
0xbf: {  	_ =	sfence.sel $0xFFFF  }
0xc0: {  	[dreg:$0x0] =	wrdreg $0xFFFFFFFF;
	(pc) =	sbr.abs _section_cstart, $3  }
0xc1: {  	[dreg:$0x1] =	wrdreg $0xFFFFFFFF  }
0xc2: {  	_ =	task.clear_ibuf [dreg:s7], $0x2FFFF;
	_ =	strace $0x9FFFFFFF  }
0xc3: {  	(tm) =	ssettm $0x7FFFFFFF  }
tec
execute0_lowered:
.L_overlay_start_1:
0x0: {  	(tag) =	ssettag $0x1  }
0x1: {  	s2 =	rddreg [dreg:$0x0]  }
0x2: {  	s5 =	rddreg [dreg:$0x1]  }
0x3: {  	s3 =	rddreg [dreg:$0x2];
	s4 =	srdreg.scid  }
0x4: {  	s1 =	stileid.u32;
	s0 =	rddreg [dreg:$0x3];
	s13 =	simm.s32 $0x1400  }
0x5: {  	s14 =	simm.s32 $0x80;
	s15 =	simm.s32 $0x2800;
	s16 =	simm.s32 $0x1  }
0x6: {  	s17 =	simm.s32 $0x0;
	s6 =	sand.u32 $0x1, s4;
	s7 =	smul.u32 $0x14000, s1  }
0x7: {  	s4 =	simm.s32 $0x0;
	s8 =	sshll.u32 s1, $0x1;
	s10 =	smul.u32 $0x50000, s1  }
0x8: {  	s31 =	sshll.u32 s1, $0x6;
	s9 =	smul.u32 $0x140000, s6;
	[smem:$0x7FF] =	sst s4  }
0x9: {  	s8 =	sor.u32 s6, s8;
	s6 =	ssub.s32 $0x2, s6;
	_ =	strace $0x8000004D  }
0xa: {  	s8 =	smul.u32 $0x280, s8;
	s28 =	sshrl.u32 s6, $0x1;
	s29 =	sshrl.u32 s10, $0x2  }
0xb: {  	s30 =	sshrl.u32 s7, $0x3;
	s9 =	sadd.s32 s7, s9;
	s11 =	ssub.s32 s6, s28  }
0xc: {  	s12 =	sadd.s32 s29, s3;
	s6 =	sor.u32 $0x1C02, s31;
	s9 =	sshrl.u32 s9, $0x3  }
0xd: {  	s8 =	sadd.s32 s8, s5;
	s10 =	smax.u32 s11, $0x1;
	s11 =	sshrl.u32 s12, $0x3  }
0xe: {  	s12 =	simm.s32 $0x2;
	s9 =	sadd.s32 s9, s5;
	s5 =	sadd.s32 s2, s30  }
0xf: {  	s7 =	sadd.s32 $0x6A00, s8;
	s8 =	sadd.s32 $0x1800, s8;
	s9 =	sadd.s32 $0xBA00, s9  }
.LBB2_1:
0x10: {  	[spmem:s11], [sflag:s6] =	dma.local [hbm:s5], $0x2800  }
0x11: {  	_ =	swait.ge [sflag:s12], $0x2800  }
0x12: {  	[sflag:s12] =	ssyncset.done $0x0  }
0x13: {  	[sflag:s12] =	ssyncadd.s32 $0xFFFFD800  }
0x14: {  	[tilespmem:s4], [sflag:$0x2] =	stream.linear.gather [hbm4b:s7+s4], $0x1400, $0x38;
	[tilespmem:$0x1A800] =	vst v63  }
0x15: {  	_ =	swait.ge [sflag:s12], $0x1400  }
0x16: {  	[sflag:s12] =	ssyncset.done $0x0  }
0x17: {  	[sflag:s12] =	ssyncadd.s32 $0xFFFFEC00  }
0x18: {  	[tilespmem:s13], [sflag:$0x2] =	stream.linear.gather [hbm4b:s8+s4], $0x1400, $0x38;
	[tilespmem:$0x1A800] =	vst v63  }
0x19: {  	_ =	swait.ge [sflag:s12], $0x1400  }
0x1a: {  	[sflag:s12] =	ssyncset.done $0x0  }
0x1b: {  	[sflag:s12] =	ssyncadd.s32 $0xFFFFEC00  }
0x1c: {  	s18 =	simm.s32 $0x0;
	[bflag:$0x0] =	sbarrier.arrive $0xFFFF  }
0x1d: {  	[tilespmem:s15], [sflag:$0x1] =	stream.indirect.gather [hbm4b:s2+s14], $0x80, s18, s14, $0xb8;
	[tilespmem:$0x1A800] =	vst v63  }
0x1e: {  	_ =	swait.ge [sflag:s16], $0x4000  }
0x1f: {  	[sflag:s16] =	ssyncset.done $0x0  }
0x20: {  	s31 =	simm.s32 $0x1400;
	[sflag:s16] =	ssyncadd.s32 $0xFFFFC000  }
0x21: {  	[spmem:s3] =	stream.indirect.scatter.add.f32 [tilespmem:s15], [sflag:$0x2], $0x80, s31, s14, $0xb8;
	[tilespmem:$0x1A800] =	vst v63  }
0x22: {  	_ =	swait.ge [sflag:s12], $0x4000  }
0x23: {  	s19 =	simm.s32 $0x400;
	s18 =	simm.s32 $0x200;
	[sflag:s12] =	ssyncset.done $0x0  }
.LBB2_2:
0x24: {  	s20 =	sshra.s32 s18, $0x2  }
0x25: {  	[sflag:s12] =	ssyncadd.s32 $0xFFFFC000;
	s18 =	smov.u32 s19;
	s21 =	sadd.s32 $0x200, s19  }
0x26: {  	[tilespmem:s15], [sflag:$0x1] =	stream.indirect.gather [hbm4b:s2+s14], $0x80, s20, s14, $0xb8;
	[tilespmem:$0x1A800] =	vst v63  }
0x27: {  	p0 =	sne.s32 s19, $0x4E00;
	_ =	swait.ge [sflag:s16], $0x4000  }
.Ltmp0:
0x28: {  	[sflag:s16] =	ssyncset.done $0x0;
	(pc) =	sbr.rel @p0 .LBB2_2-.Ltmp0, $4  }
0x29: {  	s19 =	sadd.s32 $0x1400, s20;
	[sflag:s16] =	ssyncadd.s32 $0xFFFFC000  }
0x2a: {  	[spmem:s3] =	stream.indirect.scatter.add.f32 [tilespmem:s15], [sflag:$0x2], $0x80, s19, s14, $0xb8;
	[tilespmem:$0x1A800] =	vst v63  }
0x2b: {  	_ =	swait.ge [sflag:s12], $0x4000  }
0x2c: {  	s19 =	smov.u32 s21;
	[sflag:s12] =	ssyncset.done $0x0  }
0x2d: {  	s18 =	sshra.s32 s18, $0x2;
	[sflag:s12] =	ssyncadd.s32 $0xFFFFC000  }
0x2e: {  	[tilespmem:s15], [sflag:$0x1] =	stream.indirect.gather [hbm4b:s2+s14], $0x80, s18, s14, $0xb8;
	[tilespmem:$0x1A800] =	vst v63  }
0x2f: {  	_ =	swait.ge [sflag:s16], $0x4000  }
0x30: {  	[sflag:s16] =	ssyncset.done $0x0  }
0x31: {  	s18 =	sadd.s32 $0x1400, s18;
	[sflag:s16] =	ssyncadd.s32 $0xFFFFC000  }
0x32: {  	[spmem:s3] =	stream.indirect.scatter.add.f32 [tilespmem:s15], [sflag:$0x2], $0x80, s18, s14, $0xb8;
	[tilespmem:$0x1A800] =	vst v63  }
0x33: {  	_ =	swait.ge [sflag:s12], $0x4000  }
0x34: {  	s17 =	sadd.s32 $0x1, s17;
	[sflag:s12] =	ssyncset.done $0x0  }
0x35: {  	p0 =	sne.s32 s17, s10;
	[sflag:s12] =	ssyncadd.s32 $0xFFFFC000  }
.Ltmp1:
0x36: {  	[bflag:$0x0] =	sbarrier.arrive $0xFFFF;
	(pc) =	sbr.rel @p0 .LBB2_1-.Ltmp1, $4  }
0x37: {  	[hbm:s9], [sflag:s6] =	dma.local [spmem:s11], $0x2800  }
0x38: {  	_ =	swait.ge [sflag:s12], $0x2800  }
0x39: {  	[sflag:s12] =	ssyncset.done $0x0  }
0x3a: {  	[sflag:s12] =	ssyncadd.s32 $0xFFFFD800  }
0x3b: {  	_ =	sfence.sel $0x180000  }
0x3c: {  	[bflag:$0x0] =	sbarrier.arrive $0xFFFF  }
0x3d: {  	p0 =	sne.s32 s1, $0x0;
	_ =	strace $0x9000004D  }
0x3e: {  	s0 =	sadd.s32 @!p0 $0x100000, s0;
	[bflag:$0x2] =	sbarrier.arrive $0xFFFF  }
0x3f: {  	[sflag:s0] =	ssyncadd.tile.s32 @!p0 $0x1;
	_ =	shalt  }
.Lfunc_end2:
_tile_overlayer_lowered:
.L_overlay_start_2:
0x40: {  	(tag) =	ssettag $0x2  }
0x41: {  	s0 =	rddreg [dreg:$0x0];
	s2 =	stileid.u32  }
0x42: {  	s1 =	rddreg [dreg:$0x1];
	p0 =	sne.s32 s2, $0x0  }
0x43: {  	s3 =	rddreg [dreg:$0x2];
	[bflag:$0x3] =	sbarrier.arrive $0xFFFF;
	s2 =	simm.s32 @!p0 $0x1C02  }
0x44: {  	[timem:s3], [sflag:s2] =	dma.local @!p0 [hbm:s0], s1  }
0x45: {  	s0 =	simm.s32 @!p0 $0x2  }
0x46: {  	_ =	swait.ge @!p0 [sflag:s0], s1  }
0x47: {  	s1 =	ssub.s32 @!p0 $0x0, s1;
	[sflag:s0] =	ssyncset.done @!p0 $0x0  }
0x48: {  	[sflag:s0] =	ssyncadd.s32 @!p0 s1  }
0x49: {  	[bflag:$0x3] =	sbarrier.arrive $0xFFFF  }
0x4a: {  	_ =	shalt  }

// kernel: kernel.8.cloned.1.call-start
scs
__scs_entry_jumppad:
0x0: {  	(pc) =	sbr.rel $0x88, $3  }
0x1: {  	(tag) =	ssettag $0x0;
	lr =	simm.s32 $0x1  }
0x2: {  	[smem:$0x3F9B] =	sst lr;
	_ =	strace $0xD0000000  }
0x3: {  	_ = 	snop  }
0x4: {  	_ = 	snop  }
0x5: {  	_ = 	snop  }
0x6: {  	_ = 	snop  }
0x7: {  	_ = 	snop  }
__scs_overlays_trampoline_lowered:
0x8: {  	[smem:$0x3FAA] =	sst s0  }
0x9: {  	[smem:$0x3FAB] =	sst s1  }
0xa: {  	[smem:$0x3FAC] =	sst s2  }
0xb: {  	[smem:$0x3FAD] =	sst s3  }
0xc: {  	[smem:$0x3FAE] =	sst s4  }
0xd: {  	[smem:$0x3FAF] =	sst s5  }
0xe: {  	[smem:$0x3FB0] =	sst s6  }
0xf: {  	[smem:$0x3FB1] =	sst s7  }
0x10: {  	[smem:$0x3FB2] =	sst s8  }
0x11: {  	[smem:$0x3FB3] =	sst s9;
	s0 =	simm.s32 @!p0 $0x0  }
0x12: {  	s1 =	sld [smem:$0x3F99];
	s0 =	simm.s32 @p0 $0x1  }
0x13: {  	[smem:$0x3FB4] =	sst s0;
	s0 =	simm.s32 @!p1 $0x0  }
0x14: {  	s2 =	sld [smem:$0x3F98];
	s0 =	simm.s32 @p1 $0x1  }
0x15: {  	[smem:$0x3FB5] =	sst s0;
	s0 =	simm.s32 @!p2 $0x0  }
0x16: {  	s3 =	sld [smem:$0x3FDB];
	s0 =	simm.s32 @p2 $0x1  }
0x17: {  	s4 =	simm.s32 $0x1BF5;
	[smem:$0x3FB7] =	sst s0  }
0x18: {  	s0 =	sld [smem:$0x3F9A];
	_ =	swait.ge [sflag:s4], $0x0  }
0x19: {  	s7 =	sld [smem:$0x3F9B]  }
0x1a: {  	s8 =	sadd.s32 $0xFFFFE003, lr  }
0x1b: {  	s9 =	sadd.s32 $0xFFFFFEF7, lr;
	s5 =	simm.s32 $0xFFFFFFFF;
	p2 =	slt.u32 s8, $0xFFFFF086  }
0x1c: {  	p1 =	slt.u32 s9, $0xF7A;
	s5 =	simm.s32 @!p2 $0x0  }
0x1d: {  	s5 =	simm.s32 @p1 $0x1;
	p0 =	seq.s32 s7, s2  }
0x1e: {  	s7 =	smul.u32 @!p0 $0xF7A, s2;
	p2 =	seq.s32 @!p0 s5, $0x0  }
0x1f: {  	s9 =	smul.u32 $0xF7A, s1;
	s8 =	simm.s32 @!p0 $0x1BF5;
	p2 =	por !p2, p0  }
0x20: {  	[sflag:s8] =	ssyncset.s32 @!p0 $0xFFFFF086;
	s6 =	sadd.s32 @!p0 s3, s7;
	s7 =	simm.s32 @!p0 $0x108  }
0x21: {  	s3 =	sadd.s32 s3, s9;
	s6 =	sadd.s32 @!p0 $0x88, s6;
	s7 =	simm.s32 @p2 $0x1082  }
0x22: {  	[simem:s7], [sflag:s8] =	dma.local @!p0 [hbm:s6], $0xF7A  }
0x23: {  	s9 =	sor.u32 $0xD0000000, s2;
	s6 =	simm.s32 $0x108;
	_ =	swait.ge @!p0 [sflag:s8], $0x0  }
0x24: {  	s3 =	sadd.s32 $0x88, s3;
	s6 =	simm.s32 @!p1 $0x1082;
	[sflag:s4] =	ssyncset.s32 $0xFFFFF086  }
0x25: {  	[simem:s6], [sflag:s4] =	dma.local [hbm:s3], $0xF7A  }
0x26: {  	[smem:$0x3F9B] =	sst s1;
	(tag) =	ssettag s2;
	_ =	strace s9  }
0x27: {  	s1 =	sld [smem:$0x3FAB]  }
0x28: {  	s2 =	sld [smem:$0x3FAC]  }
0x29: {  	s4 =	sld [smem:$0x3FAE]  }
0x2a: {  	p0 =	seq.s32 s5, $0x0;
	s5 =	sld [smem:$0x3FAF]  }
0x2b: {  	s6 =	sld [smem:$0x3FB0]  }
0x2c: {  	s7 =	sld [smem:$0x3FB1]  }
0x2d: {  	s3 =	simm.s32 $0x108;
	s8 =	sld [smem:$0x3FB2]  }
0x2e: {  	s3 =	simm.s32 @!p0 $0x1082;
	s9 =	sld [smem:$0x3FB3]  }
0x2f: {  	lr =	sadd.s32 s0, s3;
	s0 =	sld [smem:$0x3FAA]  }
0x30: {  	s3 =	sld [smem:$0x3FAD]  }
0x31: {  	[smem:$0x3FB6] =	sst s10  }
0x32: {  	s10 =	sld [smem:$0x3FB4];
	_ =	sdelay $0x3  }
0x33: {  	p0 =	seq.s32 s10, $0x1;
	s10 =	sld [smem:$0x3FB6];
	_ =	sdelay $0x3  }
0x34: {  	[smem:$0x3FB6] =	sst s10  }
0x35: {  	s10 =	sld [smem:$0x3FB5];
	_ =	sdelay $0x3  }
0x36: {  	p1 =	seq.s32 s10, $0x1;
	s10 =	sld [smem:$0x3FB6];
	_ =	sdelay $0x3  }
0x37: {  	[smem:$0x3FB6] =	sst s10  }
0x38: {  	s10 =	sld [smem:$0x3FB7]  }
0x39: {  	_ = 	snop;
	(pc) =	sbr.ind lr, $3  }
0x3a: {  	_ = 	snop  }
0x3b: {  	_ = 	snop  }
0x3c: {  	p2 =	seq.s32 s10, $0x1;
	s10 =	sld [smem:$0x3FB6]  }
0x3d: {  	_ =	shalt  }
0x3e: {  	_ =	shalt  }
0x3f: {  	_ =	shalt  }
0x40: {  	_ =	shalt  }
0x41: {  	_ =	shalt  }
0x42: {  	_ =	shalt  }
0x43: {  	_ =	shalt  }
0x44: {  	_ =	shalt  }
0x45: {  	_ =	shalt  }
0x46: {  	_ =	shalt  }
0x47: {  	_ =	shalt  }
0x48: {  	_ =	shalt  }
0x49: {  	_ =	shalt  }
0x4a: {  	_ =	shalt  }
0x4b: {  	_ =	shalt  }
0x4c: {  	_ =	shalt  }
0x4d: {  	_ =	shalt  }
0x4e: {  	_ =	shalt  }
0x4f: {  	_ =	shalt  }
0x50: {  	_ =	shalt  }
0x51: {  	_ =	shalt  }
0x52: {  	_ =	shalt  }
0x53: {  	_ =	shalt  }
0x54: {  	_ =	shalt  }
0x55: {  	_ =	shalt  }
0x56: {  	_ =	shalt  }
0x57: {  	_ =	shalt  }
0x58: {  	_ =	shalt  }
0x59: {  	_ =	shalt  }
0x5a: {  	_ =	shalt  }
0x5b: {  	_ =	shalt  }
0x5c: {  	_ =	shalt  }
0x5d: {  	_ =	shalt  }
0x5e: {  	_ =	shalt  }
0x5f: {  	_ =	shalt  }
0x60: {  	_ =	shalt  }
0x61: {  	_ =	shalt  }
0x62: {  	_ =	shalt  }
0x63: {  	_ =	shalt  }
0x64: {  	_ =	shalt  }
0x65: {  	_ =	shalt  }
0x66: {  	_ =	shalt  }
0x67: {  	_ =	shalt  }
0x68: {  	_ =	shalt  }
0x69: {  	_ =	shalt  }
0x6a: {  	_ =	shalt  }
0x6b: {  	_ =	shalt  }
0x6c: {  	_ =	shalt  }
0x6d: {  	_ =	shalt  }
0x6e: {  	_ =	shalt  }
0x6f: {  	_ =	shalt  }
0x70: {  	_ =	shalt  }
0x71: {  	_ =	shalt  }
0x72: {  	_ =	shalt  }
0x73: {  	_ =	shalt  }
0x74: {  	_ =	shalt  }
0x75: {  	_ =	shalt  }
0x76: {  	_ =	shalt  }
0x77: {  	_ =	shalt  }
0x78: {  	_ =	shalt  }
0x79: {  	_ =	shalt  }
0x7a: {  	_ =	shalt  }
0x7b: {  	_ =	shalt  }
0x7c: {  	_ =	shalt  }
0x7d: {  	_ =	shalt  }
0x7e: {  	_ =	shalt  }
0x7f: {  	_ =	shalt  }
0x80: {  	_ =	shalt  }
0x81: {  	_ =	shalt  }
0x82: {  	_ =	shalt  }
0x83: {  	_ =	shalt  }
0x84: {  	_ =	shalt  }
0x85: {  	_ =	shalt  }
0x86: {  	_ =	shalt  }
0x87: {  	_ =	shalt  }
.Lfunc_end0:
.L_simem_size_0:
called_computation_lowered:
.L_overlay_start_0:
0x88: {  	s2 =	sld [smem:$0x3FD9]  }
0x89: {  	s3 =	sld [smem:$0x3FFE];
	_ =	sdelay $0x1  }
0x8a: {  	s1 =	srdreg.scid  }
0x8b: {  	s0 =	sand.u32 $0x1, s1  }
0x8c: {  	s17 =	sshll.u32 s0, $0xA;
	s2 =	sadd.s32 s3, s2  }
0x8d: {  	s2 =	sadd.s32 s2, s17  }
0x8e: {  	[smem:$0x3FC2] =	sst s2  }
0x8f: {  	_ = 	snop  }
0x90: {  	s2 =	sld [smem:$0x3FD0];
	(tm) =	ssettm $0x1  }
0x91: {  	s18 =	sld [smem:$0x3FFB];
	_ =	sdelay $0x3  }
0x92: {  	_ =	strace s18  }
0x93: {  	s3 =	sld [smem:$0x3FFC];
	_ =	sdelay $0x3  }
0x94: {  	_ =	strace s3  }
0x95: {  	s3 =	sld [smem:$0x3FFD];
	_ =	sdelay $0x3  }
0x96: {  	_ =	strace s3  }
0x97: {  	_ =	strace $0x8FFFFFFF  }
0x98: {  	s19 =	sld [smem:$0x3FDB];
	_ =	sdelay $0x1  }
0x99: {  	s4 =	simm.s32 $_scs_section_size  }
0x9a: {  	s5 =	simm.s32 $_size__tile_overlayer_lowered;
	s6 =	simm.s32 $_tile_overlayer_lowered  }
0x9b: {  	s22 =	simm.s32 $0x1BFF;
	s21 =	sshll.u32 s6, $0x1;
	s3 =	sadd.s32 s4, s19  }
0x9c: {  	s7 =	simm.s32 $0x0;
	s20 =	sshll.u32 s5, $0x1;
	s5 =	sadd.s32 s21, s3  }
0x9d: {  	[timem:s7], [sflag:s22] =	dma.local [hbm:s5], s20  }
0x9e: {  	_ =	swait.ge [sflag:s22], s20  }
0x9f: {  	s4 =	ssub.s32 $0x0, s20;
	[sflag:s22] =	ssyncset.done $0x0  }
0xa0: {  	[sflag:s22] =	ssyncadd.s32 s4;
	_ =	sdelay $0x1  }
0xa1: {  	s23 =	simm.s32 $0x1B8B  }
0xa2: {  	_ =	swait.ge [sflag:s23], $0x1  }
0xa3: {  	[sflag:s23] =	ssyncset.done $0x0  }
0xa4: {  	s25 =	simm.s32 $0x1B8E;
	s24 =	sld [smem:$0x3FFE];
	[sflag:s23] =	ssyncadd.s32 $0xFFFFFFFF  }
0xa5: {  	s26 =	simm.s32 $execute0_lowered;
	[smem:$0x3FD2] =	sst s25  }
0xa6: {  	s5 =	sshll.u32 s26, $0x1;
	_ =	strace $0x80000046;
	[dreg:$0x1] =	wrdreg $0xFFFFFFFF  }
0xa7: {  	s28 =	simm.s32 $_size_execute0_lowered;
	s3 =	sadd.s32 s3, s5;
	[dreg:$0x0] =	wrdreg $0x0  }
0xa8: {  	s5 =	sshll.u32 s28, $0x1;
	[dreg:$0x2] =	wrdreg s3  }
0xa9: {  	[dreg:$0x3] =	wrdreg s5  }
0xaa: {  	[dreg:$0x4] =	wrdreg $0xC0  }
0xab: {  	_ =	task [dreg:s7], $0x5FFFF  }
0xac: {  	[dreg:$0x1] =	wrdreg $0xFFFFFFFF  }
0xad: {  	[dreg:$0x0] =	wrdreg $0x60  }
0xae: {  	[dreg:$0x2] =	wrdreg s24  }
0xaf: {  	[dreg:$0x3] =	wrdreg s2  }
0xb0: {  	[dreg:$0x4] =	wrdreg $0x14800  }
0xb1: {  	[dreg:$0x5] =	wrdreg $0x9  }
0xb2: {  	_ =	task.clear_ibuf [dreg:s7], $0x6FFFF;
	_ =	strace $0x90000046  }
0xb3: {  	s29 =	simm.s32 $0x9;
	_ =	strace $0x80000048  }
0xb4: {  	_ =	swait.ge [sflag:s29], $0x1  }
0xb5: {  	[sflag:s29] =	ssyncadd.s32 $0xFFFFFFFF  }
0xb6: {  	_ =	strace $0x90000048  }
0xb7: {  	_ =	sfence  }
0xb8: {  	s30 =	sld [smem:$0x0];
	_ =	sdelay $0x2  }
0xb9: {  	s31 =	sshll.u32 s1, $0xD;
	s1 =	sshrl.u32 s1, $0x2  }
0xba: {  	s3 =	sand.u32 $0x4000, s31;
	s1 =	sadd.s32 s1, s30  }
0xbb: {  	s0 =	sor.u32 s3, s0;
	s1 =	sshll.u32 s1, $0x11  }
0xbc: {  	s0 =	sor.u32 s1, s0  }
0xbd: {  	s0 =	sadd.s32 $0x8F2B, s0  }
0xbe: {  	[sflag:s0] =	ssyncadd.remote.s32 $0x1  }
0xbf: {  	_ =	sfence.sel $0xFFFF  }
0xc0: {  	[dreg:$0x0] =	wrdreg $0xFFFFFFFF;
	(pc) =	sbr.abs _section_cstart, $3  }
0xc1: {  	[dreg:$0x1] =	wrdreg $0xFFFFFFFF  }
0xc2: {  	_ =	task.clear_ibuf [dreg:s7], $0x2FFFF;
	_ =	strace $0x9FFFFFFF  }
0xc3: {  	(tm) =	ssettm $0x7FFFFFFF  }
tec
execute0_lowered:
.L_overlay_start_1:
0x0: {  	(tag) =	ssettag $0x1  }
0x1: {  	s8 =	rddreg [dreg:$0x0]  }
0x2: {  	s10 =	rddreg [dreg:$0x1]  }
0x3: {  	s2 =	rddreg [dreg:$0x2];
	s3 =	srdreg.scid  }
0x4: {  	s1 =	stileid.u32;
	s0 =	rddreg [dreg:$0x3];
	s20 =	simm.s32 $0x80  }
0x5: {  	s21 =	simm.s32 $0x20;
	s22 =	simm.s32 $0x10;
	s23 =	simm.s32 $0x0  }
0x6: {  	s7 =	sand.u32 $0x1, s3;
	s4 =	sshll.u32 s1, $0x1;
	s5 =	smul.u32 $0xA00, s1  }
0x7: {  	s3 =	simm.s32 $0x0;
	s12 =	smul.u32 $0x500, s1;
	s14 =	sshll.u32 s1, $0x6  }
0x8: {  	s4 =	sor.u32 s7, s4;
	[smem:$0x7FF] =	sst s3;
	s6 =	ssub.s32 $0x2, s7  }
0x9: {  	s13 =	sshll.u32 s7, $0x7;
	s7 =	sadd.s32 $0x6830, s8;
	s14 =	sor.u32 $0x1C01, s14  }
0xa: {  	s4 =	smul.u32 $0x280, s4;
	_ =	strace $0x80000047;
	s5 =	sshrl.u32 s5, $0x2  }
0xb: {  	s11 =	sshrl.u32 s6, $0x1;
	s12 =	sor.u32 s13, s12;
	s13 =	simm.s32 $0x1  }
0xc: {  	s15 =	sadd.s32 s5, s2;
	s11 =	ssub.s32 s6, s11;
	s5 =	sadd.s32 $0x6810, s8  }
0xd: {  	s6 =	sadd.s32 $0x6820, s8;
	s12 =	sshrl.u32 s12, $0x3;
	s9 =	sadd.s32 s4, s8  }
0xe: {  	s4 =	sadd.s32 $0x6800, s8;
	s16 =	sadd.s32 $0x80, s15;
	s17 =	sadd.s32 $0x100, s15  }
0xf: {  	s18 =	sadd.s32 $0x180, s15;
	s19 =	sadd.s32 $0x200, s15;
	s8 =	sadd.s32 $0x6840, s8  }
0x10: {  	s10 =	sadd.s32 s10, s12;
	s11 =	smax.u32 s11, $0x1;
	s12 =	simm.s32 $0x1400  }
0x11: {  	s15 =	sshrl.u32 s15, $0x3;
	s9 =	sadd.s32 $0x1800, s9;
	s16 =	sshrl.u32 s16, $0x3  }
0x12: {  	s17 =	sshrl.u32 s17, $0x3;
	s18 =	sshrl.u32 s18, $0x3;
	s19 =	sshrl.u32 s19, $0x3  }
.LBB2_1:
0x13: {  	[tilespmem:s12], [sflag:$0x1] =	stream.linear.gather [hbm4b:s4+s3], $0x80, $0x38;
	[tilespmem:$0x1700] =	vst v63  }
0x14: {  	_ =	swait.ge [sflag:s13], $0x80  }
0x15: {  	[sflag:s13] =	ssyncset.done $0x0  }
0x16: {  	[sflag:s13] =	ssyncadd.s32 $0xFFFFFF80  }
0x17: {  	[spmem:s15], [sflag:s14] =	dma.local [hbm:s4], $0x10  }
0x18: {  	_ =	swait.ge [sflag:s13], $0x10  }
0x19: {  	[sflag:s13] =	ssyncset.done $0x0  }
0x1a: {  	[sflag:s13] =	ssyncadd.s32 $0xFFFFFFF0  }
0x1b: {  	[spmem:s16], [sflag:s14] =	dma.local [hbm:s5], $0x10  }
0x1c: {  	_ =	swait.ge [sflag:s13], $0x10  }
0x1d: {  	[sflag:s13] =	ssyncset.done $0x0  }
0x1e: {  	[sflag:s13] =	ssyncadd.s32 $0xFFFFFFF0  }
0x1f: {  	[spmem:s17], [sflag:s14] =	dma.local [hbm:s6], $0x10  }
0x20: {  	_ =	swait.ge [sflag:s13], $0x10  }
0x21: {  	[sflag:s13] =	ssyncset.done $0x0  }
0x22: {  	[sflag:s13] =	ssyncadd.s32 $0xFFFFFFF0  }
0x23: {  	[spmem:s18], [sflag:s14] =	dma.local [hbm:s7], $0x10  }
0x24: {  	_ =	swait.ge [sflag:s13], $0x10  }
0x25: {  	[sflag:s13] =	ssyncset.done $0x0  }
0x26: {  	[sflag:s13] =	ssyncadd.s32 $0xFFFFFFF0  }
0x27: {  	[spmem:s19], [sflag:s14] =	dma.local [hbm:s8], $0x10  }
0x28: {  	_ =	swait.ge [sflag:s13], $0x10  }
0x29: {  	[sflag:s13] =	ssyncset.done $0x0  }
0x2a: {  	[sflag:s13] =	ssyncadd.s32 $0xFFFFFFF0  }
0x2b: {  	[tilespmem:s3], [sflag:$0x1] =	stream.linear.gather [hbm4b:s9+s3], $0x1400, $0x38;
	[tilespmem:$0x1700] =	vst v63  }
0x2c: {  	_ =	swait.ge [sflag:s13], $0x1400  }
0x2d: {  	[sflag:s13] =	ssyncset.done $0x0  }
0x2e: {  	[sflag:s13] =	ssyncadd.s32 $0xFFFFEC00  }
0x2f: {  	s24 =	simm.s32 $0x0;
	[bflag:$0x0] =	sbarrier.arrive $0xFFFF  }
0x30: {  	[spmem:s2] =	stream.indirect.scatter.add.f32 [tilespmem:s12], [sflag:$0x1], $0x1, s24, s20, $0xb8;
	[tilespmem:$0x1700] =	vst v63  }
0x31: {  	_ =	swait.ge [sflag:s13], $0x80  }
0x32: {  	s24 =	simm.s32 $0x200;
	[sflag:s13] =	ssyncset.done $0x0  }
.LBB2_2:
0x33: {  	s25 =	sshra.s32 s24, $0x2;
	[sflag:s13] =	ssyncadd.s32 $0xFFFFFF80;
	p0 =	sne.s32 s24, $0x4E00  }
0x34: {  	[spmem:s2] =	stream.indirect.scatter.add.f32 [tilespmem:s12], [sflag:$0x1], $0x1, s25, s20, $0xb8;
	[tilespmem:$0x1700] =	vst v63  }
.Ltmp0:
0x35: {  	_ = 	snop;
	(pc) =	sbr.rel @p0 .LBB2_2-.Ltmp0, $4  }
0x36: {  	_ = 	snop  }
0x37: {  	s24 =	sadd.s32 $0x200, s24  }
0x38: {  	_ =	swait.ge [sflag:s13], $0x80  }
0x39: {  	[sflag:s13] =	ssyncset.done $0x0  }
0x3a: {  	s23 =	sadd.s32 $0x1, s23  }
0x3b: {  	[sflag:s13] =	ssyncadd.s32 $0xFFFFFF80;
	p0 =	sne.s32 s23, s11  }
.Ltmp1:
0x3c: {  	[bflag:$0x0] =	sbarrier.arrive $0xFFFF;
	(pc) =	sbr.rel @p0 .LBB2_1-.Ltmp1, $4  }
0x3d: {  	[hbm:s10@s21], [sflag:s14] =	dma.strided [spmem:s15@s22], $0x50, s13, $0x10   }
0x3e: {  	_ =	swait.ge [sflag:s13], $0x50  }
0x3f: {  	[sflag:s13] =	ssyncset.done $0x0  }
0x40: {  	[sflag:s13] =	ssyncadd.s32 $0xFFFFFFB0  }
0x41: {  	_ =	sfence.sel $0x180000  }
0x42: {  	[bflag:$0x0] =	sbarrier.arrive $0xFFFF  }
0x43: {  	p0 =	sne.s32 s1, $0x0;
	_ =	strace $0x90000047  }
0x44: {  	s0 =	sadd.s32 @!p0 $0x100000, s0;
	[bflag:$0x2] =	sbarrier.arrive $0xFFFF  }
0x45: {  	[sflag:s0] =	ssyncadd.tile.s32 @!p0 $0x1;
	_ =	shalt  }
.Lfunc_end2:
_tile_overlayer_lowered:
.L_overlay_start_2:
0x46: {  	(tag) =	ssettag $0x2  }
0x47: {  	s0 =	rddreg [dreg:$0x0];
	s2 =	stileid.u32  }
0x48: {  	s1 =	rddreg [dreg:$0x1];
	p0 =	sne.s32 s2, $0x0  }
0x49: {  	s3 =	rddreg [dreg:$0x2];
	[bflag:$0x3] =	sbarrier.arrive $0xFFFF;
	s2 =	simm.s32 @!p0 $0x1C01  }
0x4a: {  	[timem:s3], [sflag:s2] =	dma.local @!p0 [hbm:s0], s1  }
0x4b: {  	s0 =	simm.s32 @!p0 $0x1  }
0x4c: {  	_ =	swait.ge @!p0 [sflag:s0], s1  }
0x4d: {  	s1 =	ssub.s32 @!p0 $0x0, s1;
	[sflag:s0] =	ssyncset.done @!p0 $0x0  }
0x4e: {  	[sflag:s0] =	ssyncadd.s32 @!p0 s1  }
0x4f: {  	[bflag:$0x3] =	sbarrier.arrive $0xFFFF  }
0x50: {  	_ =	shalt  }

</sc_bundles>
